<compile_context>
chip_gen: v7x
topology: tpu7x:2x2x1
jax: 0.10.2.dev20260603
libtpu: 0.0.44.dev20260713+nightly
codegen_flags: <defaults>
</compile_context>

<pallas_src>
import functools

import jax
import jax.numpy as jnp
from jax import lax
from jax.experimental import pallas as pl
from jax.experimental.pallas import tpu as pltpu
from jax.experimental.pallas import tpu_sc as plsc

VOCAB = 1000
DIM = 64
LANE = 128
NUM_CORES = 2
NUM_SUBCORES = 16
NW = NUM_CORES * NUM_SUBCORES
CHUNK = 128
NBUF = 8


def _make_sc_gather(n_total: int):
    per_w = n_total // NW
    n_chunks = per_w // CHUNK
    n_groups = n_chunks // NBUF

    mesh = plsc.VectorSubcoreMesh(core_axis_name="c", subcore_axis_name="s")

    @functools.partial(
        pl.kernel,
        mesh=mesh,
        compiler_params=pltpu.CompilerParams(use_tc_tiling_on_sc=False),
        out_type=jax.ShapeDtypeStruct((n_total, LANE), jnp.float32),
        scratch_types=[
            pltpu.VMEM((n_chunks, CHUNK), jnp.int32),
            pltpu.VMEM((NBUF, CHUNK, DIM), jnp.float32),
            pltpu.VMEM_SHARED((VOCAB, DIM), jnp.float32),
            pltpu.SemaphoreType.DMA((NBUF,)),
            pltpu.SemaphoreType.DMA((NBUF,)),
        ],
    )
    def k(idx_hbm, table_hbm, out_hbm, idx_v, bufs, table_sh, gsems, wsems):
        cid = lax.axis_index("c")
        sid = lax.axis_index("s")
        wid = sid * NUM_CORES + cid
        base = wid * per_w

        @pl.when(sid == 0)
        def _():
            pltpu.sync_copy(table_hbm, table_sh)

        pltpu.sync_copy(idx_hbm.at[wid], idx_v)
        plsc.subcore_barrier()

        def gather(j, b):
            pltpu.async_copy(table_sh.at[idx_v.at[j]], bufs.at[b], gsems.at[b])

        def gather_wait(b):
            pltpu.make_async_copy(
                table_sh.at[idx_v.at[0]], bufs.at[b], gsems.at[b]
            ).wait()

        def write(j, b):
            pltpu.async_copy(
                bufs.at[b],
                out_hbm.at[pl.ds(base + j * CHUNK, CHUNK), pl.ds(0, DIM)],
                wsems.at[b],
            )

        def write_wait(b):
            pltpu.make_async_copy(
                out_hbm.at[pl.ds(base, CHUNK), pl.ds(0, DIM)], bufs.at[b], wsems.at[b]
            ).wait()

        for b in range(NBUF):
            gather(b, b)

        def body(i, carry):
            jg = i * NBUF
            for b in range(NBUF):
                gather_wait(b)
                write(jg + b, b)
            for b in range(NBUF):
                write_wait(b)
                gather(jg + NBUF + b, b)
            return carry

        lax.fori_loop(0, n_groups - 1, body, 0)

        jg = (n_groups - 1) * NBUF
        for b in range(NBUF):
            gather_wait(b)
            write(jg + b, b)
        for b in range(NBUF):
            write_wait(b)

    return k


def kernel(img_rep_tokens, table):
    b, f = img_rep_tokens.shape
    n = b * f
    idx3d = img_rep_tokens.reshape(NW, n // (NW * CHUNK), CHUNK)
    out = _make_sc_gather(n)(idx3d, table)
    return out[:, :DIM].reshape(b, f, DIM)

# --- scband reference (transcript-rebuilt; emitter-appended) ---
"""Pipeline reference for scband-structured-image-model-10359461118178 (READ-ONLY COPY).

The authoritative reference and input builder live on the scoring server;
editing this copy changes nothing except your own understanding.
"""

import jax, jax.numpy as jnp
import numpy as np

VOCAB = 1000
DIM = 64
OUTPUT_CHANNELS = 200
PAD_VALUE = 0.0  # rep_vocab.pad_index equivalent (unused when output_channels <= F_img)


def setup_inputs(seed: int = 0) -> dict:
    key = jax.random.key(seed)
    k1, k2 = jax.random.split(key)
    img_rep_tokens = jax.random.randint(k1, (4096, 200), 0, 900, dtype=jnp.int32)
    # Embedding table initialized like nn.init.normal_(std=dim**-0.5)
    table = jax.random.normal(k2, (VOCAB, DIM), dtype=jnp.float32) * (DIM ** -0.5)
    return {"img_rep_tokens": img_rep_tokens, "table": table}


def reference(img_rep_tokens, table):
    # Embedding lookup (gather)
    rep_embed = jnp.take(table, img_rep_tokens, axis=0)
    B, F_img, d = rep_embed.shape
    if OUTPUT_CHANNELS > F_img:
        pad_length = OUTPUT_CHANNELS - F_img
        rep_embed = jnp.pad(
            rep_embed, ((0, 0), (0, pad_length), (0, 0)), constant_values=PAD_VALUE
        )
    return rep_embed

if __name__ == "__main__":
    import jax
    _d = setup_inputs()
    print(jax.jit(kernel)(*tuple(_d.values())))

</pallas_src>

<mosaic_0001>
#map = affine_map<(d0, d1) -> (0, 0, 0)>
#map1 = affine_map<(d0, d1) -> (0, 0)>
module attributes {stable_mosaic.version = 14 : i64} {
  func.func @k(%arg0: i32, %arg1: i32, %arg2: memref<32x200x128xi32, #tpu.memory_space<hbm>>, %arg3: memref<1000x64xf32, #tpu.memory_space<hbm>>, %arg4: memref<819200x128xf32, #tpu.memory_space<hbm>>, %arg5: memref<200x128xi32, #tpu.memory_space<vmem>>, %arg6: memref<8x128x64xf32, #tpu.memory_space<vmem>>, %arg7: memref<1000x64xf32, #tpu.memory_space<vmem_shared>>, %arg8: memref<8x!tpu.dma_semaphore, #tpu.memory_space<semaphore_mem>>, %arg9: memref<8x!tpu.dma_semaphore, #tpu.memory_space<semaphore_mem>>) attributes {dimension_semantics = [#tpu.dimension_semantics<core_parallel>, #tpu.dimension_semantics<subcore_parallel>], iteration_bounds = array<i64: 2, 16>, scalar_prefetch = 0 : i64, scratch_operands = 5 : i64, tpu.core_type = #tpu.core_type<sc_vector_subcore>, window_params = [{transform_indices = #map}, {transform_indices = #map1}, {transform_indices = #map1}]} {
    %mul3A = arith.constant 2 : i32
    %mul3A_0 = arith.muli %arg1, %mul3A : i32
    %add3A = arith.addi %mul3A_0, %arg0 : i32
    %mul3A_1 = arith.constant 25600 : i32
    %mul3A_2 = arith.muli %add3A, %mul3A_1 : i32
    %eq3A = arith.constant 0 : i32
    %eq3A_3 = arith.cmpi eq, %arg1, %eq3A : i32
    %convert_element_type3A = arith.extui %eq3A_3 : i1 to i32
    %cond3A = arith.constant 0 : i32
    %cond3A_4 = arith.cmpi ne, %convert_element_type3A, %cond3A : i32
    scf.if %cond3A_4 {
      "tpu.region"() ({
        %run_scoped3A = tpu.sem_alloc : memref<!tpu.dma_semaphore, #tpu.memory_space<semaphore_mem>>
        tpu.enqueue_dma source(%arg3 : memref<1000x64xf32, #tpu.memory_space<hbm>>) target(%arg7 : memref<1000x64xf32, #tpu.memory_space<vmem_shared>>) target_semaphore(%run_scoped3A : memref<!tpu.dma_semaphore, #tpu.memory_space<semaphore_mem>>)
        tpu.wait_dma2 semaphore(%run_scoped3A : memref<!tpu.dma_semaphore, #tpu.memory_space<semaphore_mem>>) src(%arg3 : memref<1000x64xf32, #tpu.memory_space<hbm>>) dst(%arg7 : memref<1000x64xf32, #tpu.memory_space<vmem_shared>>)
        tpu.yield
      }) : () -> ()
    } else {
    }
    "tpu.region"() ({
      %run_scoped3A = tpu.sem_alloc : memref<!tpu.dma_semaphore, #tpu.memory_space<semaphore_mem>>
      %dma_start3A_520 = arith.constant 0 : i32
      %dma_start3A_521 = arith.constant 0 : i32
      %dma_start3A_522 = tpu.memref_slice %arg2[%add3A, %dma_start3A_520, %dma_start3A_521] : memref<32x200x128xi32, #tpu.memory_space<hbm>> -> memref<1x200x128xi32, #tpu.memory_space<hbm>>
      %dma_start3A_523 = tpu.memref_squeeze %dma_start3A_522 : memref<1x200x128xi32, #tpu.memory_space<hbm>> -> memref<200x128xi32, #tpu.memory_space<hbm>>
      %dma_start3A_524 = arith.constant 0 : i32
      %dma_start3A_525 = arith.constant 0 : i32
      %dma_start3A_526 = tpu.memref_slice %arg2[%add3A, %dma_start3A_524, %dma_start3A_525] : memref<32x200x128xi32, #tpu.memory_space<hbm>> -> memref<1x200x128xi32, #tpu.memory_space<hbm>>
      %dma_start3A_527 = tpu.memref_squeeze %dma_start3A_526 : memref<1x200x128xi32, #tpu.memory_space<hbm>> -> memref<200x128xi32, #tpu.memory_space<hbm>>
      tpu.enqueue_dma source(%dma_start3A_527 : memref<200x128xi32, #tpu.memory_space<hbm>>) target(%arg5 : memref<200x128xi32, #tpu.memory_space<vmem>>) target_semaphore(%run_scoped3A : memref<!tpu.dma_semaphore, #tpu.memory_space<semaphore_mem>>)
      %dma_wait3A_528 = arith.constant 0 : i32
      %dma_wait3A_529 = arith.constant 0 : i32
      %dma_wait3A_530 = tpu.memref_slice %arg2[%add3A, %dma_wait3A_528, %dma_wait3A_529] : memref<32x200x128xi32, #tpu.memory_space<hbm>> -> memref<1x200x128xi32, #tpu.memory_space<hbm>>
      %dma_wait3A_531 = tpu.memref_squeeze %dma_wait3A_530 : memref<1x200x128xi32, #tpu.memory_space<hbm>> -> memref<200x128xi32, #tpu.memory_space<hbm>>
      %dma_wait3A_532 = arith.constant 0 : i32
      %dma_wait3A_533 = arith.constant 0 : i32
      %dma_wait3A_534 = tpu.memref_slice %arg2[%add3A, %dma_wait3A_532, %dma_wait3A_533] : memref<32x200x128xi32, #tpu.memory_space<hbm>> -> memref<1x200x128xi32, #tpu.memory_space<hbm>>
      %dma_wait3A_535 = tpu.memref_squeeze %dma_wait3A_534 : memref<1x200x128xi32, #tpu.memory_space<hbm>> -> memref<200x128xi32, #tpu.memory_space<hbm>>
      tpu.wait_dma2 semaphore(%run_scoped3A : memref<!tpu.dma_semaphore, #tpu.memory_space<semaphore_mem>>) src(%dma_wait3A_535 : memref<200x128xi32, #tpu.memory_space<hbm>>) dst(%arg5 : memref<200x128xi32, #tpu.memory_space<vmem>>)
      tpu.yield
    }) : () -> ()
    %barrier3A = arith.constant 0 : index
    tpu.barrier barrier_id(%barrier3A)
    %dma_start3A = arith.constant 0 : i32
    %dma_start3A_5 = arith.constant 0 : i32
    %dma_start3A_6 = arith.constant 0 : i32
    %dma_start3A_7 = arith.constant 0 : i32
    %dma_start3A_8 = arith.constant 0 : i32
    %dma_start3A_9 = tpu.memref_slice %arg6[%dma_start3A_5, %dma_start3A_7, %dma_start3A_8] : memref<8x128x64xf32, #tpu.memory_space<vmem>> -> memref<1x128x64xf32, #tpu.memory_space<vmem>>
    %dma_start3A_10 = tpu.memref_squeeze %dma_start3A_9 : memref<1x128x64xf32, #tpu.memory_space<vmem>> -> memref<128x64xf32, #tpu.memory_space<vmem>>
    %dma_start3A_11 = arith.constant 0 : i32
    %dma_start3A_12 = tpu.memref_slice %arg5[%dma_start3A, %dma_start3A_11] : memref<200x128xi32, #tpu.memory_space<vmem>> -> memref<1x128xi32, #tpu.memory_space<vmem>>
    %dma_start3A_13 = tpu.memref_squeeze %dma_start3A_12 : memref<1x128xi32, #tpu.memory_space<vmem>> -> memref<128xi32, #tpu.memory_space<vmem>>
    %dma_start3A_14 = arith.constant 0 : i32
    %dma_start3A_15 = arith.constant 0 : i32
    %dma_start3A_16 = tpu.memref_slice %arg7[%dma_start3A_14, %dma_start3A_15] : memref<1000x64xf32, #tpu.memory_space<vmem_shared>> -> memref<1000x64xf32, #tpu.memory_space<vmem_shared>>
    %dma_start3A_17 = tpu.memref_slice %arg8[%dma_start3A_6] : memref<8x!tpu.dma_semaphore, #tpu.memory_space<semaphore_mem>> -> memref<1x!tpu.dma_semaphore, #tpu.memory_space<semaphore_mem>>
    %dma_start3A_18 = tpu.memref_squeeze %dma_start3A_17 : memref<1x!tpu.dma_semaphore, #tpu.memory_space<semaphore_mem>> -> memref<!tpu.dma_semaphore, #tpu.memory_space<semaphore_mem>>
    tpu.enqueue_indirect_dma source(%dma_start3A_16 : memref<1000x64xf32, #tpu.memory_space<vmem_shared>>) target(%dma_start3A_10 : memref<128x64xf32, #tpu.memory_space<vmem>>) offsets(%dma_start3A_13 : memref<128xi32, #tpu.memory_space<vmem>>) semaphore(%dma_start3A_18 : memref<!tpu.dma_semaphore, #tpu.memory_space<semaphore_mem>>)
    %dma_start3A_19 = arith.constant 1 : i32
    %dma_start3A_20 = arith.constant 1 : i32
    %dma_start3A_21 = arith.constant 1 : i32
    %dma_start3A_22 = arith.constant 0 : i32
    %dma_start3A_23 = arith.constant 0 : i32
    %dma_start3A_24 = tpu.memref_slice %arg6[%dma_start3A_20, %dma_start3A_22, %dma_start3A_23] : memref<8x128x64xf32, #tpu.memory_space<vmem>> -> memref<1x128x64xf32, #tpu.memory_space<vmem>>
    %dma_start3A_25 = tpu.memref_squeeze %dma_start3A_24 : memref<1x128x64xf32, #tpu.memory_space<vmem>> -> memref<128x64xf32, #tpu.memory_space<vmem>>
    %dma_start3A_26 = arith.constant 0 : i32
    %dma_start3A_27 = tpu.memref_slice %arg5[%dma_start3A_19, %dma_start3A_26] : memref<200x128xi32, #tpu.memory_space<vmem>> -> memref<1x128xi32, #tpu.memory_space<vmem>>
    %dma_start3A_28 = tpu.memref_squeeze %dma_start3A_27 : memref<1x128xi32, #tpu.memory_space<vmem>> -> memref<128xi32, #tpu.memory_space<vmem>>
    %dma_start3A_29 = arith.constant 0 : i32
    %dma_start3A_30 = arith.constant 0 : i32
    %dma_start3A_31 = tpu.memref_slice %arg7[%dma_start3A_29, %dma_start3A_30] : memref<1000x64xf32, #tpu.memory_space<vmem_shared>> -> memref<1000x64xf32, #tpu.memory_space<vmem_shared>>
    %dma_start3A_32 = tpu.memref_slice %arg8[%dma_start3A_21] : memref<8x!tpu.dma_semaphore, #tpu.memory_space<semaphore_mem>> -> memref<1x!tpu.dma_semaphore, #tpu.memory_space<semaphore_mem>>
    %dma_start3A_33 = tpu.memref_squeeze %dma_start3A_32 : memref<1x!tpu.dma_semaphore, #tpu.memory_space<semaphore_mem>> -> memref<!tpu.dma_semaphore, #tpu.memory_space<semaphore_mem>>
    tpu.enqueue_indirect_dma source(%dma_start3A_31 : memref<1000x64xf32, #tpu.memory_space<vmem_shared>>) target(%dma_start3A_25 : memref<128x64xf32, #tpu.memory_space<vmem>>) offsets(%dma_start3A_28 : memref<128xi32, #tpu.memory_space<vmem>>) semaphore(%dma_start3A_33 : memref<!tpu.dma_semaphore, #tpu.memory_space<semaphore_mem>>)
    %dma_start3A_34 = arith.constant 2 : i32
    %dma_start3A_35 = arith.constant 2 : i32
    %dma_start3A_36 = arith.constant 2 : i32
    %dma_start3A_37 = arith.constant 0 : i32
    %dma_start3A_38 = arith.constant 0 : i32
    %dma_start3A_39 = tpu.memref_slice %arg6[%dma_start3A_35, %dma_start3A_37, %dma_start3A_38] : memref<8x128x64xf32, #tpu.memory_space<vmem>> -> memref<1x128x64xf32, #tpu.memory_space<vmem>>
    %dma_start3A_40 = tpu.memref_squeeze %dma_start3A_39 : memref<1x128x64xf32, #tpu.memory_space<vmem>> -> memref<128x64xf32, #tpu.memory_space<vmem>>
    %dma_start3A_41 = arith.constant 0 : i32
    %dma_start3A_42 = tpu.memref_slice %arg5[%dma_start3A_34, %dma_start3A_41] : memref<200x128xi32, #tpu.memory_space<vmem>> -> memref<1x128xi32, #tpu.memory_space<vmem>>
    %dma_start3A_43 = tpu.memref_squeeze %dma_start3A_42 : memref<1x128xi32, #tpu.memory_space<vmem>> -> memref<128xi32, #tpu.memory_space<vmem>>
    %dma_start3A_44 = arith.constant 0 : i32
    %dma_start3A_45 = arith.constant 0 : i32
    %dma_start3A_46 = tpu.memref_slice %arg7[%dma_start3A_44, %dma_start3A_45] : memref<1000x64xf32, #tpu.memory_space<vmem_shared>> -> memref<1000x64xf32, #tpu.memory_space<vmem_shared>>
    %dma_start3A_47 = tpu.memref_slice %arg8[%dma_start3A_36] : memref<8x!tpu.dma_semaphore, #tpu.memory_space<semaphore_mem>> -> memref<1x!tpu.dma_semaphore, #tpu.memory_space<semaphore_mem>>
    %dma_start3A_48 = tpu.memref_squeeze %dma_start3A_47 : memref<1x!tpu.dma_semaphore, #tpu.memory_space<semaphore_mem>> -> memref<!tpu.dma_semaphore, #tpu.memory_space<semaphore_mem>>
    tpu.enqueue_indirect_dma source(%dma_start3A_46 : memref<1000x64xf32, #tpu.memory_space<vmem_shared>>) target(%dma_start3A_40 : memref<128x64xf32, #tpu.memory_space<vmem>>) offsets(%dma_start3A_43 : memref<128xi32, #tpu.memory_space<vmem>>) semaphore(%dma_start3A_48 : memref<!tpu.dma_semaphore, #tpu.memory_space<semaphore_mem>>)
    %dma_start3A_49 = arith.constant 3 : i32
    %dma_start3A_50 = arith.constant 3 : i32
    %dma_start3A_51 = arith.constant 3 : i32
    %dma_start3A_52 = arith.constant 0 : i32
    %dma_start3A_53 = arith.constant 0 : i32
    %dma_start3A_54 = tpu.memref_slice %arg6[%dma_start3A_50, %dma_start3A_52, %dma_start3A_53] : memref<8x128x64xf32, #tpu.memory_space<vmem>> -> memref<1x128x64xf32, #tpu.memory_space<vmem>>
    %dma_start3A_55 = tpu.memref_squeeze %dma_start3A_54 : memref<1x128x64xf32, #tpu.memory_space<vmem>> -> memref<128x64xf32, #tpu.memory_space<vmem>>
    %dma_start3A_56 = arith.constant 0 : i32
    %dma_start3A_57 = tpu.memref_slice %arg5[%dma_start3A_49, %dma_start3A_56] : memref<200x128xi32, #tpu.memory_space<vmem>> -> memref<1x128xi32, #tpu.memory_space<vmem>>
    %dma_start3A_58 = tpu.memref_squeeze %dma_start3A_57 : memref<1x128xi32, #tpu.memory_space<vmem>> -> memref<128xi32, #tpu.memory_space<vmem>>
    %dma_start3A_59 = arith.constant 0 : i32
    %dma_start3A_60 = arith.constant 0 : i32
    %dma_start3A_61 = tpu.memref_slice %arg7[%dma_start3A_59, %dma_start3A_60] : memref<1000x64xf32, #tpu.memory_space<vmem_shared>> -> memref<1000x64xf32, #tpu.memory_space<vmem_shared>>
    %dma_start3A_62 = tpu.memref_slice %arg8[%dma_start3A_51] : memref<8x!tpu.dma_semaphore, #tpu.memory_space<semaphore_mem>> -> memref<1x!tpu.dma_semaphore, #tpu.memory_space<semaphore_mem>>
    %dma_start3A_63 = tpu.memref_squeeze %dma_start3A_62 : memref<1x!tpu.dma_semaphore, #tpu.memory_space<semaphore_mem>> -> memref<!tpu.dma_semaphore, #tpu.memory_space<semaphore_mem>>
    tpu.enqueue_indirect_dma source(%dma_start3A_61 : memref<1000x64xf32, #tpu.memory_space<vmem_shared>>) target(%dma_start3A_55 : memref<128x64xf32, #tpu.memory_space<vmem>>) offsets(%dma_start3A_58 : memref<128xi32, #tpu.memory_space<vmem>>) semaphore(%dma_start3A_63 : memref<!tpu.dma_semaphore, #tpu.memory_space<semaphore_mem>>)
    %dma_start3A_64 = arith.constant 4 : i32
    %dma_start3A_65 = arith.constant 4 : i32
    %dma_start3A_66 = arith.constant 4 : i32
    %dma_start3A_67 = arith.constant 0 : i32
    %dma_start3A_68 = arith.constant 0 : i32
    %dma_start3A_69 = tpu.memref_slice %arg6[%dma_start3A_65, %dma_start3A_67, %dma_start3A_68] : memref<8x128x64xf32, #tpu.memory_space<vmem>> -> memref<1x128x64xf32, #tpu.memory_space<vmem>>
    %dma_start3A_70 = tpu.memref_squeeze %dma_start3A_69 : memref<1x128x64xf32, #tpu.memory_space<vmem>> -> memref<128x64xf32, #tpu.memory_space<vmem>>
    %dma_start3A_71 = arith.constant 0 : i32
    %dma_start3A_72 = tpu.memref_slice %arg5[%dma_start3A_64, %dma_start3A_71] : memref<200x128xi32, #tpu.memory_space<vmem>> -> memref<1x128xi32, #tpu.memory_space<vmem>>
    %dma_start3A_73 = tpu.memref_squeeze %dma_start3A_72 : memref<1x128xi32, #tpu.memory_space<vmem>> -> memref<128xi32, #tpu.memory_space<vmem>>
    %dma_start3A_74 = arith.constant 0 : i32
    %dma_start3A_75 = arith.constant 0 : i32
    %dma_start3A_76 = tpu.memref_slice %arg7[%dma_start3A_74, %dma_start3A_75] : memref<1000x64xf32, #tpu.memory_space<vmem_shared>> -> memref<1000x64xf32, #tpu.memory_space<vmem_shared>>
    %dma_start3A_77 = tpu.memref_slice %arg8[%dma_start3A_66] : memref<8x!tpu.dma_semaphore, #tpu.memory_space<semaphore_mem>> -> memref<1x!tpu.dma_semaphore, #tpu.memory_space<semaphore_mem>>
    %dma_start3A_78 = tpu.memref_squeeze %dma_start3A_77 : memref<1x!tpu.dma_semaphore, #tpu.memory_space<semaphore_mem>> -> memref<!tpu.dma_semaphore, #tpu.memory_space<semaphore_mem>>
    tpu.enqueue_indirect_dma source(%dma_start3A_76 : memref<1000x64xf32, #tpu.memory_space<vmem_shared>>) target(%dma_start3A_70 : memref<128x64xf32, #tpu.memory_space<vmem>>) offsets(%dma_start3A_73 : memref<128xi32, #tpu.memory_space<vmem>>) semaphore(%dma_start3A_78 : memref<!tpu.dma_semaphore, #tpu.memory_space<semaphore_mem>>)
    %dma_start3A_79 = arith.constant 5 : i32
    %dma_start3A_80 = arith.constant 5 : i32
    %dma_start3A_81 = arith.constant 5 : i32
    %dma_start3A_82 = arith.constant 0 : i32
    %dma_start3A_83 = arith.constant 0 : i32
    %dma_start3A_84 = tpu.memref_slice %arg6[%dma_start3A_80, %dma_start3A_82, %dma_start3A_83] : memref<8x128x64xf32, #tpu.memory_space<vmem>> -> memref<1x128x64xf32, #tpu.memory_space<vmem>>
    %dma_start3A_85 = tpu.memref_squeeze %dma_start3A_84 : memref<1x128x64xf32, #tpu.memory_space<vmem>> -> memref<128x64xf32, #tpu.memory_space<vmem>>
    %dma_start3A_86 = arith.constant 0 : i32
    %dma_start3A_87 = tpu.memref_slice %arg5[%dma_start3A_79, %dma_start3A_86] : memref<200x128xi32, #tpu.memory_space<vmem>> -> memref<1x128xi32, #tpu.memory_space<vmem>>
    %dma_start3A_88 = tpu.memref_squeeze %dma_start3A_87 : memref<1x128xi32, #tpu.memory_space<vmem>> -> memref<128xi32, #tpu.memory_space<vmem>>
    %dma_start3A_89 = arith.constant 0 : i32
    %dma_start3A_90 = arith.constant 0 : i32
    %dma_start3A_91 = tpu.memref_slice %arg7[%dma_start3A_89, %dma_start3A_90] : memref<1000x64xf32, #tpu.memory_space<vmem_shared>> -> memref<1000x64xf32, #tpu.memory_space<vmem_shared>>
    %dma_start3A_92 = tpu.memref_slice %arg8[%dma_start3A_81] : memref<8x!tpu.dma_semaphore, #tpu.memory_space<semaphore_mem>> -> memref<1x!tpu.dma_semaphore, #tpu.memory_space<semaphore_mem>>
    %dma_start3A_93 = tpu.memref_squeeze %dma_start3A_92 : memref<1x!tpu.dma_semaphore, #tpu.memory_space<semaphore_mem>> -> memref<!tpu.dma_semaphore, #tpu.memory_space<semaphore_mem>>
    tpu.enqueue_indirect_dma source(%dma_start3A_91 : memref<1000x64xf32, #tpu.memory_space<vmem_shared>>) target(%dma_start3A_85 : memref<128x64xf32, #tpu.memory_space<vmem>>) offsets(%dma_start3A_88 : memref<128xi32, #tpu.memory_space<vmem>>) semaphore(%dma_start3A_93 : memref<!tpu.dma_semaphore, #tpu.memory_space<semaphore_mem>>)
    %dma_start3A_94 = arith.constant 6 : i32
    %dma_start3A_95 = arith.constant 6 : i32
    %dma_start3A_96 = arith.constant 6 : i32
    %dma_start3A_97 = arith.constant 0 : i32
    %dma_start3A_98 = arith.constant 0 : i32
    %dma_start3A_99 = tpu.memref_slice %arg6[%dma_start3A_95, %dma_start3A_97, %dma_start3A_98] : memref<8x128x64xf32, #tpu.memory_space<vmem>> -> memref<1x128x64xf32, #tpu.memory_space<vmem>>
    %dma_start3A_100 = tpu.memref_squeeze %dma_start3A_99 : memref<1x128x64xf32, #tpu.memory_space<vmem>> -> memref<128x64xf32, #tpu.memory_space<vmem>>
    %dma_start3A_101 = arith.constant 0 : i32
    %dma_start3A_102 = tpu.memref_slice %arg5[%dma_start3A_94, %dma_start3A_101] : memref<200x128xi32, #tpu.memory_space<vmem>> -> memref<1x128xi32, #tpu.memory_space<vmem>>
    %dma_start3A_103 = tpu.memref_squeeze %dma_start3A_102 : memref<1x128xi32, #tpu.memory_space<vmem>> -> memref<128xi32, #tpu.memory_space<vmem>>
    %dma_start3A_104 = arith.constant 0 : i32
    %dma_start3A_105 = arith.constant 0 : i32
    %dma_start3A_106 = tpu.memref_slice %arg7[%dma_start3A_104, %dma_start3A_105] : memref<1000x64xf32, #tpu.memory_space<vmem_shared>> -> memref<1000x64xf32, #tpu.memory_space<vmem_shared>>
    %dma_start3A_107 = tpu.memref_slice %arg8[%dma_start3A_96] : memref<8x!tpu.dma_semaphore, #tpu.memory_space<semaphore_mem>> -> memref<1x!tpu.dma_semaphore, #tpu.memory_space<semaphore_mem>>
    %dma_start3A_108 = tpu.memref_squeeze %dma_start3A_107 : memref<1x!tpu.dma_semaphore, #tpu.memory_space<semaphore_mem>> -> memref<!tpu.dma_semaphore, #tpu.memory_space<semaphore_mem>>
    tpu.enqueue_indirect_dma source(%dma_start3A_106 : memref<1000x64xf32, #tpu.memory_space<vmem_shared>>) target(%dma_start3A_100 : memref<128x64xf32, #tpu.memory_space<vmem>>) offsets(%dma_start3A_103 : memref<128xi32, #tpu.memory_space<vmem>>) semaphore(%dma_start3A_108 : memref<!tpu.dma_semaphore, #tpu.memory_space<semaphore_mem>>)
    %dma_start3A_109 = arith.constant 7 : i32
    %dma_start3A_110 = arith.constant 7 : i32
    %dma_start3A_111 = arith.constant 7 : i32
    %dma_start3A_112 = arith.constant 0 : i32
    %dma_start3A_113 = arith.constant 0 : i32
    %dma_start3A_114 = tpu.memref_slice %arg6[%dma_start3A_110, %dma_start3A_112, %dma_start3A_113] : memref<8x128x64xf32, #tpu.memory_space<vmem>> -> memref<1x128x64xf32, #tpu.memory_space<vmem>>
    %dma_start3A_115 = tpu.memref_squeeze %dma_start3A_114 : memref<1x128x64xf32, #tpu.memory_space<vmem>> -> memref<128x64xf32, #tpu.memory_space<vmem>>
    %dma_start3A_116 = arith.constant 0 : i32
    %dma_start3A_117 = tpu.memref_slice %arg5[%dma_start3A_109, %dma_start3A_116] : memref<200x128xi32, #tpu.memory_space<vmem>> -> memref<1x128xi32, #tpu.memory_space<vmem>>
    %dma_start3A_118 = tpu.memref_squeeze %dma_start3A_117 : memref<1x128xi32, #tpu.memory_space<vmem>> -> memref<128xi32, #tpu.memory_space<vmem>>
    %dma_start3A_119 = arith.constant 0 : i32
    %dma_start3A_120 = arith.constant 0 : i32
    %dma_start3A_121 = tpu.memref_slice %arg7[%dma_start3A_119, %dma_start3A_120] : memref<1000x64xf32, #tpu.memory_space<vmem_shared>> -> memref<1000x64xf32, #tpu.memory_space<vmem_shared>>
    %dma_start3A_122 = tpu.memref_slice %arg8[%dma_start3A_111] : memref<8x!tpu.dma_semaphore, #tpu.memory_space<semaphore_mem>> -> memref<1x!tpu.dma_semaphore, #tpu.memory_space<semaphore_mem>>
    %dma_start3A_123 = tpu.memref_squeeze %dma_start3A_122 : memref<1x!tpu.dma_semaphore, #tpu.memory_space<semaphore_mem>> -> memref<!tpu.dma_semaphore, #tpu.memory_space<semaphore_mem>>
    tpu.enqueue_indirect_dma source(%dma_start3A_121 : memref<1000x64xf32, #tpu.memory_space<vmem_shared>>) target(%dma_start3A_115 : memref<128x64xf32, #tpu.memory_space<vmem>>) offsets(%dma_start3A_118 : memref<128xi32, #tpu.memory_space<vmem>>) semaphore(%dma_start3A_123 : memref<!tpu.dma_semaphore, #tpu.memory_space<semaphore_mem>>)
    %scan3A = arith.constant 0 : i32
    %scan3A_124 = arith.constant 0 : i32
    %scan3A_125 = arith.constant 24 : i32
    %scan3A_126 = arith.addi %scan3A_124, %scan3A_125 : i32
    %scan3A_127 = arith.constant 1 : i32
    scf.for %scan3A_520 = %scan3A_124 to %scan3A_126 step %scan3A_127  : i32 {
      %mul3A_521 = arith.constant 8 : i32
      %mul3A_522 = arith.muli %scan3A_520, %mul3A_521 : i32
      %dma_wait3A_523 = arith.constant 0 : i32
      %dma_wait3A_524 = arith.constant 0 : i32
      %dma_wait3A_525 = arith.constant 0 : i32
      %dma_wait3A_526 = arith.constant 0 : i32
      %dma_wait3A_527 = arith.constant 0 : i32
      %dma_wait3A_528 = tpu.memref_slice %arg6[%dma_wait3A_524, %dma_wait3A_526, %dma_wait3A_527] : memref<8x128x64xf32, #tpu.memory_space<vmem>> -> memref<1x128x64xf32, #tpu.memory_space<vmem>>
      %dma_wait3A_529 = tpu.memref_squeeze %dma_wait3A_528 : memref<1x128x64xf32, #tpu.memory_space<vmem>> -> memref<128x64xf32, #tpu.memory_space<vmem>>
      %dma_wait3A_530 = arith.constant 0 : i32
      %dma_wait3A_531 = tpu.memref_slice %arg5[%dma_wait3A_523, %dma_wait3A_530] : memref<200x128xi32, #tpu.memory_space<vmem>> -> memref<1x128xi32, #tpu.memory_space<vmem>>
      %dma_wait3A_532 = tpu.memref_squeeze %dma_wait3A_531 : memref<1x128xi32, #tpu.memory_space<vmem>> -> memref<128xi32, #tpu.memory_space<vmem>>
      %dma_wait3A_533 = arith.constant 0 : i32
      %dma_wait3A_534 = arith.constant 0 : i32
      %dma_wait3A_535 = tpu.memref_slice %arg7[%dma_wait3A_533, %dma_wait3A_534] : memref<1000x64xf32, #tpu.memory_space<vmem_shared>> -> memref<1000x64xf32, #tpu.memory_space<vmem_shared>>
      %dma_wait3A_536 = tpu.memref_slice %arg8[%dma_wait3A_525] : memref<8x!tpu.dma_semaphore, #tpu.memory_space<semaphore_mem>> -> memref<1x!tpu.dma_semaphore, #tpu.memory_space<semaphore_mem>>
      %dma_wait3A_537 = tpu.memref_squeeze %dma_wait3A_536 : memref<1x!tpu.dma_semaphore, #tpu.memory_space<semaphore_mem>> -> memref<!tpu.dma_semaphore, #tpu.memory_space<semaphore_mem>>
      tpu.wait_indirect_dma semaphore(%dma_wait3A_537 : memref<!tpu.dma_semaphore, #tpu.memory_space<semaphore_mem>>) src(%dma_wait3A_535 : memref<1000x64xf32, #tpu.memory_space<vmem_shared>>) dst(%dma_wait3A_529 : memref<128x64xf32, #tpu.memory_space<vmem>>)
      %add3A_538 = arith.constant 0 : i32
      %add3A_539 = arith.addi %mul3A_522, %add3A_538 : i32
      %mul3A_540 = arith.constant 128 : i32
      %mul3A_541 = arith.muli %add3A_539, %mul3A_540 : i32
      %add3A_542 = arith.addi %mul3A_2, %mul3A_541 : i32
      %dma_start3A_543 = arith.constant 0 : i32
      %dma_start3A_544 = arith.constant 0 : i32
      %dma_start3A_545 = arith.constant 0 : i32
      %dma_start3A_546 = arith.constant 0 : i32
      %dma_start3A_547 = tpu.memref_slice %arg6[%dma_start3A_543, %dma_start3A_545, %dma_start3A_546] : memref<8x128x64xf32, #tpu.memory_space<vmem>> -> memref<1x128x64xf32, #tpu.memory_space<vmem>>
      %dma_start3A_548 = tpu.memref_squeeze %dma_start3A_547 : memref<1x128x64xf32, #tpu.memory_space<vmem>> -> memref<128x64xf32, #tpu.memory_space<vmem>>
      %dma_start3A_549 = arith.constant 0 : i32
      %dma_start3A_550 = tpu.memref_slice %arg4[%add3A_542, %dma_start3A_549] : memref<819200x128xf32, #tpu.memory_space<hbm>> -> memref<128x64xf32, #tpu.memory_space<hbm>>
      %dma_start3A_551 = tpu.memref_slice %arg9[%dma_start3A_544] : memref<8x!tpu.dma_semaphore, #tpu.memory_space<semaphore_mem>> -> memref<1x!tpu.dma_semaphore, #tpu.memory_space<semaphore_mem>>
      %dma_start3A_552 = tpu.memref_squeeze %dma_start3A_551 : memref<1x!tpu.dma_semaphore, #tpu.memory_space<semaphore_mem>> -> memref<!tpu.dma_semaphore, #tpu.memory_space<semaphore_mem>>
      %dma_start3A_553 = arith.constant 0 : i32
      %dma_start3A_554 = tpu.memref_slice %arg4[%add3A_542, %dma_start3A_553] : memref<819200x128xf32, #tpu.memory_space<hbm>> -> memref<128x64xf32, #tpu.memory_space<hbm>>
      %dma_start3A_555 = arith.constant 0 : i32
      %dma_start3A_556 = arith.constant 0 : i32
      %dma_start3A_557 = tpu.memref_slice %arg6[%dma_start3A_543, %dma_start3A_555, %dma_start3A_556] : memref<8x128x64xf32, #tpu.memory_space<vmem>> -> memref<1x128x64xf32, #tpu.memory_space<vmem>>
      %dma_start3A_558 = tpu.memref_squeeze %dma_start3A_557 : memref<1x128x64xf32, #tpu.memory_space<vmem>> -> memref<128x64xf32, #tpu.memory_space<vmem>>
      tpu.enqueue_dma source(%dma_start3A_558 : memref<128x64xf32, #tpu.memory_space<vmem>>) target(%dma_start3A_554 : memref<128x64xf32, #tpu.memory_space<hbm>>) target_semaphore(%dma_start3A_552 : memref<!tpu.dma_semaphore, #tpu.memory_space<semaphore_mem>>)
      %dma_wait3A_559 = arith.constant 0 : i32
      %dma_wait3A_560 = arith.constant 1 : i32
      %dma_wait3A_561 = arith.constant 1 : i32
      %dma_wait3A_562 = arith.constant 0 : i32
      %dma_wait3A_563 = arith.constant 0 : i32
      %dma_wait3A_564 = tpu.memref_slice %arg6[%dma_wait3A_560, %dma_wait3A_562, %dma_wait3A_563] : memref<8x128x64xf32, #tpu.memory_space<vmem>> -> memref<1x128x64xf32, #tpu.memory_space<vmem>>
      %dma_wait3A_565 = tpu.memref_squeeze %dma_wait3A_564 : memref<1x128x64xf32, #tpu.memory_space<vmem>> -> memref<128x64xf32, #tpu.memory_space<vmem>>
      %dma_wait3A_566 = arith.constant 0 : i32
      %dma_wait3A_567 = tpu.memref_slice %arg5[%dma_wait3A_559, %dma_wait3A_566] : memref<200x128xi32, #tpu.memory_space<vmem>> -> memref<1x128xi32, #tpu.memory_space<vmem>>
      %dma_wait3A_568 = tpu.memref_squeeze %dma_wait3A_567 : memref<1x128xi32, #tpu.memory_space<vmem>> -> memref<128xi32, #tpu.memory_space<vmem>>
      %dma_wait3A_569 = arith.constant 0 : i32
      %dma_wait3A_570 = arith.constant 0 : i32
      %dma_wait3A_571 = tpu.memref_slice %arg7[%dma_wait3A_569, %dma_wait3A_570] : memref<1000x64xf32, #tpu.memory_space<vmem_shared>> -> memref<1000x64xf32, #tpu.memory_space<vmem_shared>>
      %dma_wait3A_572 = tpu.memref_slice %arg8[%dma_wait3A_561] : memref<8x!tpu.dma_semaphore, #tpu.memory_space<semaphore_mem>> -> memref<1x!tpu.dma_semaphore, #tpu.memory_space<semaphore_mem>>
      %dma_wait3A_573 = tpu.memref_squeeze %dma_wait3A_572 : memref<1x!tpu.dma_semaphore, #tpu.memory_space<semaphore_mem>> -> memref<!tpu.dma_semaphore, #tpu.memory_space<semaphore_mem>>
      tpu.wait_indirect_dma semaphore(%dma_wait3A_573 : memref<!tpu.dma_semaphore, #tpu.memory_space<semaphore_mem>>) src(%dma_wait3A_571 : memref<1000x64xf32, #tpu.memory_space<vmem_shared>>) dst(%dma_wait3A_565 : memref<128x64xf32, #tpu.memory_space<vmem>>)
      %add3A_574 = arith.constant 1 : i32
      %add3A_575 = arith.addi %mul3A_522, %add3A_574 : i32
      %mul3A_576 = arith.constant 128 : i32
      %mul3A_577 = arith.muli %add3A_575, %mul3A_576 : i32
      %add3A_578 = arith.addi %mul3A_2, %mul3A_577 : i32
      %dma_start3A_579 = arith.constant 1 : i32
      %dma_start3A_580 = arith.constant 1 : i32
      %dma_start3A_581 = arith.constant 0 : i32
      %dma_start3A_582 = arith.constant 0 : i32
      %dma_start3A_583 = tpu.memref_slice %arg6[%dma_start3A_579, %dma_start3A_581, %dma_start3A_582] : memref<8x128x64xf32, #tpu.memory_space<vmem>> -> memref<1x128x64xf32, #tpu.memory_space<vmem>>
      %dma_start3A_584 = tpu.memref_squeeze %dma_start3A_583 : memref<1x128x64xf32, #tpu.memory_space<vmem>> -> memref<128x64xf32, #tpu.memory_space<vmem>>
      %dma_start3A_585 = arith.constant 0 : i32
      %dma_start3A_586 = tpu.memref_slice %arg4[%add3A_578, %dma_start3A_585] : memref<819200x128xf32, #tpu.memory_space<hbm>> -> memref<128x64xf32, #tpu.memory_space<hbm>>
      %dma_start3A_587 = tpu.memref_slice %arg9[%dma_start3A_580] : memref<8x!tpu.dma_semaphore, #tpu.memory_space<semaphore_mem>> -> memref<1x!tpu.dma_semaphore, #tpu.memory_space<semaphore_mem>>
      %dma_start3A_588 = tpu.memref_squeeze %dma_start3A_587 : memref<1x!tpu.dma_semaphore, #tpu.memory_space<semaphore_mem>> -> memref<!tpu.dma_semaphore, #tpu.memory_space<semaphore_mem>>
      %dma_start3A_589 = arith.constant 0 : i32
      %dma_start3A_590 = tpu.memref_slice %arg4[%add3A_578, %dma_start3A_589] : memref<819200x128xf32, #tpu.memory_space<hbm>> -> memref<128x64xf32, #tpu.memory_space<hbm>>
      %dma_start3A_591 = arith.constant 0 : i32
      %dma_start3A_592 = arith.constant 0 : i32
      %dma_start3A_593 = tpu.memref_slice %arg6[%dma_start3A_579, %dma_start3A_591, %dma_start3A_592] : memref<8x128x64xf32, #tpu.memory_space<vmem>> -> memref<1x128x64xf32, #tpu.memory_space<vmem>>
      %dma_start3A_594 = tpu.memref_squeeze %dma_start3A_593 : memref<1x128x64xf32, #tpu.memory_space<vmem>> -> memref<128x64xf32, #tpu.memory_space<vmem>>
      tpu.enqueue_dma source(%dma_start3A_594 : memref<128x64xf32, #tpu.memory_space<vmem>>) target(%dma_start3A_590 : memref<128x64xf32, #tpu.memory_space<hbm>>) target_semaphore(%dma_start3A_588 : memref<!tpu.dma_semaphore, #tpu.memory_space<semaphore_mem>>)
      %dma_wait3A_595 = arith.constant 0 : i32
      %dma_wait3A_596 = arith.constant 2 : i32
      %dma_wait3A_597 = arith.constant 2 : i32
      %dma_wait3A_598 = arith.constant 0 : i32
      %dma_wait3A_599 = arith.constant 0 : i32
      %dma_wait3A_600 = tpu.memref_slice %arg6[%dma_wait3A_596, %dma_wait3A_598, %dma_wait3A_599] : memref<8x128x64xf32, #tpu.memory_space<vmem>> -> memref<1x128x64xf32, #tpu.memory_space<vmem>>
      %dma_wait3A_601 = tpu.memref_squeeze %dma_wait3A_600 : memref<1x128x64xf32, #tpu.memory_space<vmem>> -> memref<128x64xf32, #tpu.memory_space<vmem>>
      %dma_wait3A_602 = arith.constant 0 : i32
      %dma_wait3A_603 = tpu.memref_slice %arg5[%dma_wait3A_595, %dma_wait3A_602] : memref<200x128xi32, #tpu.memory_space<vmem>> -> memref<1x128xi32, #tpu.memory_space<vmem>>
      %dma_wait3A_604 = tpu.memref_squeeze %dma_wait3A_603 : memref<1x128xi32, #tpu.memory_space<vmem>> -> memref<128xi32, #tpu.memory_space<vmem>>
      %dma_wait3A_605 = arith.constant 0 : i32
      %dma_wait3A_606 = arith.constant 0 : i32
      %dma_wait3A_607 = tpu.memref_slice %arg7[%dma_wait3A_605, %dma_wait3A_606] : memref<1000x64xf32, #tpu.memory_space<vmem_shared>> -> memref<1000x64xf32, #tpu.memory_space<vmem_shared>>
      %dma_wait3A_608 = tpu.memref_slice %arg8[%dma_wait3A_597] : memref<8x!tpu.dma_semaphore, #tpu.memory_space<semaphore_mem>> -> memref<1x!tpu.dma_semaphore, #tpu.memory_space<semaphore_mem>>
      %dma_wait3A_609 = tpu.memref_squeeze %dma_wait3A_608 : memref<1x!tpu.dma_semaphore, #tpu.memory_space<semaphore_mem>> -> memref<!tpu.dma_semaphore, #tpu.memory_space<semaphore_mem>>
      tpu.wait_indirect_dma semaphore(%dma_wait3A_609 : memref<!tpu.dma_semaphore, #tpu.memory_space<semaphore_mem>>) src(%dma_wait3A_607 : memref<1000x64xf32, #tpu.memory_space<vmem_shared>>) dst(%dma_wait3A_601 : memref<128x64xf32, #tpu.memory_space<vmem>>)
      %add3A_610 = arith.constant 2 : i32
      %add3A_611 = arith.addi %mul3A_522, %add3A_610 : i32
      %mul3A_612 = arith.constant 128 : i32
      %mul3A_613 = arith.muli %add3A_611, %mul3A_612 : i32
      %add3A_614 = arith.addi %mul3A_2, %mul3A_613 : i32
      %dma_start3A_615 = arith.constant 2 : i32
      %dma_start3A_616 = arith.constant 2 : i32
      %dma_start3A_617 = arith.constant 0 : i32
      %dma_start3A_618 = arith.constant 0 : i32
      %dma_start3A_619 = tpu.memref_slice %arg6[%dma_start3A_615, %dma_start3A_617, %dma_start3A_618] : memref<8x128x64xf32, #tpu.memory_space<vmem>> -> memref<1x128x64xf32, #tpu.memory_space<vmem>>
      %dma_start3A_620 = tpu.memref_squeeze %dma_start3A_619 : memref<1x128x64xf32, #tpu.memory_space<vmem>> -> memref<128x64xf32, #tpu.memory_space<vmem>>
      %dma_start3A_621 = arith.constant 0 : i32
      %dma_start3A_622 = tpu.memref_slice %arg4[%add3A_614, %dma_start3A_621] : memref<819200x128xf32, #tpu.memory_space<hbm>> -> memref<128x64xf32, #tpu.memory_space<hbm>>
      %dma_start3A_623 = tpu.memref_slice %arg9[%dma_start3A_616] : memref<8x!tpu.dma_semaphore, #tpu.memory_space<semaphore_mem>> -> memref<1x!tpu.dma_semaphore, #tpu.memory_space<semaphore_mem>>
      %dma_start3A_624 = tpu.memref_squeeze %dma_start3A_623 : memref<1x!tpu.dma_semaphore, #tpu.memory_space<semaphore_mem>> -> memref<!tpu.dma_semaphore, #tpu.memory_space<semaphore_mem>>
      %dma_start3A_625 = arith.constant 0 : i32
      %dma_start3A_626 = tpu.memref_slice %arg4[%add3A_614, %dma_start3A_625] : memref<819200x128xf32, #tpu.memory_space<hbm>> -> memref<128x64xf32, #tpu.memory_space<hbm>>
      %dma_start3A_627 = arith.constant 0 : i32
      %dma_start3A_628 = arith.constant 0 : i32
      %dma_start3A_629 = tpu.memref_slice %arg6[%dma_start3A_615, %dma_start3A_627, %dma_start3A_628] : memref<8x128x64xf32, #tpu.memory_space<vmem>> -> memref<1x128x64xf32, #tpu.memory_space<vmem>>
      %dma_start3A_630 = tpu.memref_squeeze %dma_start3A_629 : memref<1x128x64xf32, #tpu.memory_space<vmem>> -> memref<128x64xf32, #tpu.memory_space<vmem>>
      tpu.enqueue_dma source(%dma_start3A_630 : memref<128x64xf32, #tpu.memory_space<vmem>>) target(%dma_start3A_626 : memref<128x64xf32, #tpu.memory_space<hbm>>) target_semaphore(%dma_start3A_624 : memref<!tpu.dma_semaphore, #tpu.memory_space<semaphore_mem>>)
      %dma_wait3A_631 = arith.constant 0 : i32
      %dma_wait3A_632 = arith.constant 3 : i32
      %dma_wait3A_633 = arith.constant 3 : i32
      %dma_wait3A_634 = arith.constant 0 : i32
      %dma_wait3A_635 = arith.constant 0 : i32
      %dma_wait3A_636 = tpu.memref_slice %arg6[%dma_wait3A_632, %dma_wait3A_634, %dma_wait3A_635] : memref<8x128x64xf32, #tpu.memory_space<vmem>> -> memref<1x128x64xf32, #tpu.memory_space<vmem>>
      %dma_wait3A_637 = tpu.memref_squeeze %dma_wait3A_636 : memref<1x128x64xf32, #tpu.memory_space<vmem>> -> memref<128x64xf32, #tpu.memory_space<vmem>>
      %dma_wait3A_638 = arith.constant 0 : i32
      %dma_wait3A_639 = tpu.memref_slice %arg5[%dma_wait3A_631, %dma_wait3A_638] : memref<200x128xi32, #tpu.memory_space<vmem>> -> memref<1x128xi32, #tpu.memory_space<vmem>>
      %dma_wait3A_640 = tpu.memref_squeeze %dma_wait3A_639 : memref<1x128xi32, #tpu.memory_space<vmem>> -> memref<128xi32, #tpu.memory_space<vmem>>
      %dma_wait3A_641 = arith.constant 0 : i32
      %dma_wait3A_642 = arith.constant 0 : i32
      %dma_wait3A_643 = tpu.memref_slice %arg7[%dma_wait3A_641, %dma_wait3A_642] : memref<1000x64xf32, #tpu.memory_space<vmem_shared>> -> memref<1000x64xf32, #tpu.memory_space<vmem_shared>>
      %dma_wait3A_644 = tpu.memref_slice %arg8[%dma_wait3A_633] : memref<8x!tpu.dma_semaphore, #tpu.memory_space<semaphore_mem>> -> memref<1x!tpu.dma_semaphore, #tpu.memory_space<semaphore_mem>>
      %dma_wait3A_645 = tpu.memref_squeeze %dma_wait3A_644 : memref<1x!tpu.dma_semaphore, #tpu.memory_space<semaphore_mem>> -> memref<!tpu.dma_semaphore, #tpu.memory_space<semaphore_mem>>
      tpu.wait_indirect_dma semaphore(%dma_wait3A_645 : memref<!tpu.dma_semaphore, #tpu.memory_space<semaphore_mem>>) src(%dma_wait3A_643 : memref<1000x64xf32, #tpu.memory_space<vmem_shared>>) dst(%dma_wait3A_637 : memref<128x64xf32, #tpu.memory_space<vmem>>)
      %add3A_646 = arith.constant 3 : i32
      %add3A_647 = arith.addi %mul3A_522, %add3A_646 : i32
      %mul3A_648 = arith.constant 128 : i32
      %mul3A_649 = arith.muli %add3A_647, %mul3A_648 : i32
      %add3A_650 = arith.addi %mul3A_2, %mul3A_649 : i32
      %dma_start3A_651 = arith.constant 3 : i32
      %dma_start3A_652 = arith.constant 3 : i32
      %dma_start3A_653 = arith.constant 0 : i32
      %dma_start3A_654 = arith.constant 0 : i32
      %dma_start3A_655 = tpu.memref_slice %arg6[%dma_start3A_651, %dma_start3A_653, %dma_start3A_654] : memref<8x128x64xf32, #tpu.memory_space<vmem>> -> memref<1x128x64xf32, #tpu.memory_space<vmem>>
      %dma_start3A_656 = tpu.memref_squeeze %dma_start3A_655 : memref<1x128x64xf32, #tpu.memory_space<vmem>> -> memref<128x64xf32, #tpu.memory_space<vmem>>
      %dma_start3A_657 = arith.constant 0 : i32
      %dma_start3A_658 = tpu.memref_slice %arg4[%add3A_650, %dma_start3A_657] : memref<819200x128xf32, #tpu.memory_space<hbm>> -> memref<128x64xf32, #tpu.memory_space<hbm>>
      %dma_start3A_659 = tpu.memref_slice %arg9[%dma_start3A_652] : memref<8x!tpu.dma_semaphore, #tpu.memory_space<semaphore_mem>> -> memref<1x!tpu.dma_semaphore, #tpu.memory_space<semaphore_mem>>
      %dma_start3A_660 = tpu.memref_squeeze %dma_start3A_659 : memref<1x!tpu.dma_semaphore, #tpu.memory_space<semaphore_mem>> -> memref<!tpu.dma_semaphore, #tpu.memory_space<semaphore_mem>>
      %dma_start3A_661 = arith.constant 0 : i32
      %dma_start3A_662 = tpu.memref_slice %arg4[%add3A_650, %dma_start3A_661] : memref<819200x128xf32, #tpu.memory_space<hbm>> -> memref<128x64xf32, #tpu.memory_space<hbm>>
      %dma_start3A_663 = arith.constant 0 : i32
      %dma_start3A_664 = arith.constant 0 : i32
      %dma_start3A_665 = tpu.memref_slice %arg6[%dma_start3A_651, %dma_start3A_663, %dma_start3A_664] : memref<8x128x64xf32, #tpu.memory_space<vmem>> -> memref<1x128x64xf32, #tpu.memory_space<vmem>>
      %dma_start3A_666 = tpu.memref_squeeze %dma_start3A_665 : memref<1x128x64xf32, #tpu.memory_space<vmem>> -> memref<128x64xf32, #tpu.memory_space<vmem>>
      tpu.enqueue_dma source(%dma_start3A_666 : memref<128x64xf32, #tpu.memory_space<vmem>>) target(%dma_start3A_662 : memref<128x64xf32, #tpu.memory_space<hbm>>) target_semaphore(%dma_start3A_660 : memref<!tpu.dma_semaphore, #tpu.memory_space<semaphore_mem>>)
      %dma_wait3A_667 = arith.constant 0 : i32
      %dma_wait3A_668 = arith.constant 4 : i32
      %dma_wait3A_669 = arith.constant 4 : i32
      %dma_wait3A_670 = arith.constant 0 : i32
      %dma_wait3A_671 = arith.constant 0 : i32
      %dma_wait3A_672 = tpu.memref_slice %arg6[%dma_wait3A_668, %dma_wait3A_670, %dma_wait3A_671] : memref<8x128x64xf32, #tpu.memory_space<vmem>> -> memref<1x128x64xf32, #tpu.memory_space<vmem>>
      %dma_wait3A_673 = tpu.memref_squeeze %dma_wait3A_672 : memref<1x128x64xf32, #tpu.memory_space<vmem>> -> memref<128x64xf32, #tpu.memory_space<vmem>>
      %dma_wait3A_674 = arith.constant 0 : i32
      %dma_wait3A_675 = tpu.memref_slice %arg5[%dma_wait3A_667, %dma_wait3A_674] : memref<200x128xi32, #tpu.memory_space<vmem>> -> memref<1x128xi32, #tpu.memory_space<vmem>>
      %dma_wait3A_676 = tpu.memref_squeeze %dma_wait3A_675 : memref<1x128xi32, #tpu.memory_space<vmem>> -> memref<128xi32, #tpu.memory_space<vmem>>
      %dma_wait3A_677 = arith.constant 0 : i32
      %dma_wait3A_678 = arith.constant 0 : i32
      %dma_wait3A_679 = tpu.memref_slice %arg7[%dma_wait3A_677, %dma_wait3A_678] : memref<1000x64xf32, #tpu.memory_space<vmem_shared>> -> memref<1000x64xf32, #tpu.memory_space<vmem_shared>>
      %dma_wait3A_680 = tpu.memref_slice %arg8[%dma_wait3A_669] : memref<8x!tpu.dma_semaphore, #tpu.memory_space<semaphore_mem>> -> memref<1x!tpu.dma_semaphore, #tpu.memory_space<semaphore_mem>>
      %dma_wait3A_681 = tpu.memref_squeeze %dma_wait3A_680 : memref<1x!tpu.dma_semaphore, #tpu.memory_space<semaphore_mem>> -> memref<!tpu.dma_semaphore, #tpu.memory_space<semaphore_mem>>
      tpu.wait_indirect_dma semaphore(%dma_wait3A_681 : memref<!tpu.dma_semaphore, #tpu.memory_space<semaphore_mem>>) src(%dma_wait3A_679 : memref<1000x64xf32, #tpu.memory_space<vmem_shared>>) dst(%dma_wait3A_673 : memref<128x64xf32, #tpu.memory_space<vmem>>)
      %add3A_682 = arith.constant 4 : i32
      %add3A_683 = arith.addi %mul3A_522, %add3A_682 : i32
      %mul3A_684 = arith.constant 128 : i32
      %mul3A_685 = arith.muli %add3A_683, %mul3A_684 : i32
      %add3A_686 = arith.addi %mul3A_2, %mul3A_685 : i32
      %dma_start3A_687 = arith.constant 4 : i32
      %dma_start3A_688 = arith.constant 4 : i32
      %dma_start3A_689 = arith.constant 0 : i32
      %dma_start3A_690 = arith.constant 0 : i32
      %dma_start3A_691 = tpu.memref_slice %arg6[%dma_start3A_687, %dma_start3A_689, %dma_start3A_690] : memref<8x128x64xf32, #tpu.memory_space<vmem>> -> memref<1x128x64xf32, #tpu.memory_space<vmem>>
      %dma_start3A_692 = tpu.memref_squeeze %dma_start3A_691 : memref<1x128x64xf32, #tpu.memory_space<vmem>> -> memref<128x64xf32, #tpu.memory_space<vmem>>
      %dma_start3A_693 = arith.constant 0 : i32
      %dma_start3A_694 = tpu.memref_slice %arg4[%add3A_686, %dma_start3A_693] : memref<819200x128xf32, #tpu.memory_space<hbm>> -> memref<128x64xf32, #tpu.memory_space<hbm>>
      %dma_start3A_695 = tpu.memref_slice %arg9[%dma_start3A_688] : memref<8x!tpu.dma_semaphore, #tpu.memory_space<semaphore_mem>> -> memref<1x!tpu.dma_semaphore, #tpu.memory_space<semaphore_mem>>
      %dma_start3A_696 = tpu.memref_squeeze %dma_start3A_695 : memref<1x!tpu.dma_semaphore, #tpu.memory_space<semaphore_mem>> -> memref<!tpu.dma_semaphore, #tpu.memory_space<semaphore_mem>>
      %dma_start3A_697 = arith.constant 0 : i32
      %dma_start3A_698 = tpu.memref_slice %arg4[%add3A_686, %dma_start3A_697] : memref<819200x128xf32, #tpu.memory_space<hbm>> -> memref<128x64xf32, #tpu.memory_space<hbm>>
      %dma_start3A_699 = arith.constant 0 : i32
      %dma_start3A_700 = arith.constant 0 : i32
      %dma_start3A_701 = tpu.memref_slice %arg6[%dma_start3A_687, %dma_start3A_699, %dma_start3A_700] : memref<8x128x64xf32, #tpu.memory_space<vmem>> -> memref<1x128x64xf32, #tpu.memory_space<vmem>>
      %dma_start3A_702 = tpu.memref_squeeze %dma_start3A_701 : memref<1x128x64xf32, #tpu.memory_space<vmem>> -> memref<128x64xf32, #tpu.memory_space<vmem>>
      tpu.enqueue_dma source(%dma_start3A_702 : memref<128x64xf32, #tpu.memory_space<vmem>>) target(%dma_start3A_698 : memref<128x64xf32, #tpu.memory_space<hbm>>) target_semaphore(%dma_start3A_696 : memref<!tpu.dma_semaphore, #tpu.memory_space<semaphore_mem>>)
      %dma_wait3A_703 = arith.constant 0 : i32
      %dma_wait3A_704 = arith.constant 5 : i32
      %dma_wait3A_705 = arith.constant 5 : i32
      %dma_wait3A_706 = arith.constant 0 : i32
      %dma_wait3A_707 = arith.constant 0 : i32
      %dma_wait3A_708 = tpu.memref_slice %arg6[%dma_wait3A_704, %dma_wait3A_706, %dma_wait3A_707] : memref<8x128x64xf32, #tpu.memory_space<vmem>> -> memref<1x128x64xf32, #tpu.memory_space<vmem>>
      %dma_wait3A_709 = tpu.memref_squeeze %dma_wait3A_708 : memref<1x128x64xf32, #tpu.memory_space<vmem>> -> memref<128x64xf32, #tpu.memory_space<vmem>>
      %dma_wait3A_710 = arith.constant 0 : i32
      %dma_wait3A_711 = tpu.memref_slice %arg5[%dma_wait3A_703, %dma_wait3A_710] : memref<200x128xi32, #tpu.memory_space<vmem>> -> memref<1x128xi32, #tpu.memory_space<vmem>>
      %dma_wait3A_712 = tpu.memref_squeeze %dma_wait3A_711 : memref<1x128xi32, #tpu.memory_space<vmem>> -> memref<128xi32, #tpu.memory_space<vmem>>
      %dma_wait3A_713 = arith.constant 0 : i32
      %dma_wait3A_714 = arith.constant 0 : i32
      %dma_wait3A_715 = tpu.memref_slice %arg7[%dma_wait3A_713, %dma_wait3A_714] : memref<1000x64xf32, #tpu.memory_space<vmem_shared>> -> memref<1000x64xf32, #tpu.memory_space<vmem_shared>>
      %dma_wait3A_716 = tpu.memref_slice %arg8[%dma_wait3A_705] : memref<8x!tpu.dma_semaphore, #tpu.memory_space<semaphore_mem>> -> memref<1x!tpu.dma_semaphore, #tpu.memory_space<semaphore_mem>>
      %dma_wait3A_717 = tpu.memref_squeeze %dma_wait3A_716 : memref<1x!tpu.dma_semaphore, #tpu.memory_space<semaphore_mem>> -> memref<!tpu.dma_semaphore, #tpu.memory_space<semaphore_mem>>
      tpu.wait_indirect_dma semaphore(%dma_wait3A_717 : memref<!tpu.dma_semaphore, #tpu.memory_space<semaphore_mem>>) src(%dma_wait3A_715 : memref<1000x64xf32, #tpu.memory_space<vmem_shared>>) dst(%dma_wait3A_709 : memref<128x64xf32, #tpu.memory_space<vmem>>)
      %add3A_718 = arith.constant 5 : i32
      %add3A_719 = arith.addi %mul3A_522, %add3A_718 : i32
      %mul3A_720 = arith.constant 128 : i32
      %mul3A_721 = arith.muli %add3A_719, %mul3A_720 : i32
      %add3A_722 = arith.addi %mul3A_2, %mul3A_721 : i32
      %dma_start3A_723 = arith.constant 5 : i32
      %dma_start3A_724 = arith.constant 5 : i32
      %dma_start3A_725 = arith.constant 0 : i32
      %dma_start3A_726 = arith.constant 0 : i32
      %dma_start3A_727 = tpu.memref_slice %arg6[%dma_start3A_723, %dma_start3A_725, %dma_start3A_726] : memref<8x128x64xf32, #tpu.memory_space<vmem>> -> memref<1x128x64xf32, #tpu.memory_space<vmem>>
      %dma_start3A_728 = tpu.memref_squeeze %dma_start3A_727 : memref<1x128x64xf32, #tpu.memory_space<vmem>> -> memref<128x64xf32, #tpu.memory_space<vmem>>
      %dma_start3A_729 = arith.constant 0 : i32
      %dma_start3A_730 = tpu.memref_slice %arg4[%add3A_722, %dma_start3A_729] : memref<819200x128xf32, #tpu.memory_space<hbm>> -> memref<128x64xf32, #tpu.memory_space<hbm>>
      %dma_start3A_731 = tpu.memref_slice %arg9[%dma_start3A_724] : memref<8x!tpu.dma_semaphore, #tpu.memory_space<semaphore_mem>> -> memref<1x!tpu.dma_semaphore, #tpu.memory_space<semaphore_mem>>
      %dma_start3A_732 = tpu.memref_squeeze %dma_start3A_731 : memref<1x!tpu.dma_semaphore, #tpu.memory_space<semaphore_mem>> -> memref<!tpu.dma_semaphore, #tpu.memory_space<semaphore_mem>>
      %dma_start3A_733 = arith.constant 0 : i32
      %dma_start3A_734 = tpu.memref_slice %arg4[%add3A_722, %dma_start3A_733] : memref<819200x128xf32, #tpu.memory_space<hbm>> -> memref<128x64xf32, #tpu.memory_space<hbm>>
      %dma_start3A_735 = arith.constant 0 : i32
      %dma_start3A_736 = arith.constant 0 : i32
      %dma_start3A_737 = tpu.memref_slice %arg6[%dma_start3A_723, %dma_start3A_735, %dma_start3A_736] : memref<8x128x64xf32, #tpu.memory_space<vmem>> -> memref<1x128x64xf32, #tpu.memory_space<vmem>>
      %dma_start3A_738 = tpu.memref_squeeze %dma_start3A_737 : memref<1x128x64xf32, #tpu.memory_space<vmem>> -> memref<128x64xf32, #tpu.memory_space<vmem>>
      tpu.enqueue_dma source(%dma_start3A_738 : memref<128x64xf32, #tpu.memory_space<vmem>>) target(%dma_start3A_734 : memref<128x64xf32, #tpu.memory_space<hbm>>) target_semaphore(%dma_start3A_732 : memref<!tpu.dma_semaphore, #tpu.memory_space<semaphore_mem>>)
      %dma_wait3A_739 = arith.constant 0 : i32
      %dma_wait3A_740 = arith.constant 6 : i32
      %dma_wait3A_741 = arith.constant 6 : i32
      %dma_wait3A_742 = arith.constant 0 : i32
      %dma_wait3A_743 = arith.constant 0 : i32
      %dma_wait3A_744 = tpu.memref_slice %arg6[%dma_wait3A_740, %dma_wait3A_742, %dma_wait3A_743] : memref<8x128x64xf32, #tpu.memory_space<vmem>> -> memref<1x128x64xf32, #tpu.memory_space<vmem>>
      %dma_wait3A_745 = tpu.memref_squeeze %dma_wait3A_744 : memref<1x128x64xf32, #tpu.memory_space<vmem>> -> memref<128x64xf32, #tpu.memory_space<vmem>>
      %dma_wait3A_746 = arith.constant 0 : i32
      %dma_wait3A_747 = tpu.memref_slice %arg5[%dma_wait3A_739, %dma_wait3A_746] : memref<200x128xi32, #tpu.memory_space<vmem>> -> memref<1x128xi32, #tpu.memory_space<vmem>>
      %dma_wait3A_748 = tpu.memref_squeeze %dma_wait3A_747 : memref<1x128xi32, #tpu.memory_space<vmem>> -> memref<128xi32, #tpu.memory_space<vmem>>
      %dma_wait3A_749 = arith.constant 0 : i32
      %dma_wait3A_750 = arith.constant 0 : i32
      %dma_wait3A_751 = tpu.memref_slice %arg7[%dma_wait3A_749, %dma_wait3A_750] : memref<1000x64xf32, #tpu.memory_space<vmem_shared>> -> memref<1000x64xf32, #tpu.memory_space<vmem_shared>>
      %dma_wait3A_752 = tpu.memref_slice %arg8[%dma_wait3A_741] : memref<8x!tpu.dma_semaphore, #tpu.memory_space<semaphore_mem>> -> memref<1x!tpu.dma_semaphore, #tpu.memory_space<semaphore_mem>>
      %dma_wait3A_753 = tpu.memref_squeeze %dma_wait3A_752 : memref<1x!tpu.dma_semaphore, #tpu.memory_space<semaphore_mem>> -> memref<!tpu.dma_semaphore, #tpu.memory_space<semaphore_mem>>
      tpu.wait_indirect_dma semaphore(%dma_wait3A_753 : memref<!tpu.dma_semaphore, #tpu.memory_space<semaphore_mem>>) src(%dma_wait3A_751 : memref<1000x64xf32, #tpu.memory_space<vmem_shared>>) dst(%dma_wait3A_745 : memref<128x64xf32, #tpu.memory_space<vmem>>)
      %add3A_754 = arith.constant 6 : i32
      %add3A_755 = arith.addi %mul3A_522, %add3A_754 : i32
      %mul3A_756 = arith.constant 128 : i32
      %mul3A_757 = arith.muli %add3A_755, %mul3A_756 : i32
      %add3A_758 = arith.addi %mul3A_2, %mul3A_757 : i32
      %dma_start3A_759 = arith.constant 6 : i32
      %dma_start3A_760 = arith.constant 6 : i32
      %dma_start3A_761 = arith.constant 0 : i32
      %dma_start3A_762 = arith.constant 0 : i32
      %dma_start3A_763 = tpu.memref_slice %arg6[%dma_start3A_759, %dma_start3A_761, %dma_start3A_762] : memref<8x128x64xf32, #tpu.memory_space<vmem>> -> memref<1x128x64xf32, #tpu.memory_space<vmem>>
      %dma_start3A_764 = tpu.memref_squeeze %dma_start3A_763 : memref<1x128x64xf32, #tpu.memory_space<vmem>> -> memref<128x64xf32, #tpu.memory_space<vmem>>
      %dma_start3A_765 = arith.constant 0 : i32
      %dma_start3A_766 = tpu.memref_slice %arg4[%add3A_758, %dma_start3A_765] : memref<819200x128xf32, #tpu.memory_space<hbm>> -> memref<128x64xf32, #tpu.memory_space<hbm>>
      %dma_start3A_767 = tpu.memref_slice %arg9[%dma_start3A_760] : memref<8x!tpu.dma_semaphore, #tpu.memory_space<semaphore_mem>> -> memref<1x!tpu.dma_semaphore, #tpu.memory_space<semaphore_mem>>
      %dma_start3A_768 = tpu.memref_squeeze %dma_start3A_767 : memref<1x!tpu.dma_semaphore, #tpu.memory_space<semaphore_mem>> -> memref<!tpu.dma_semaphore, #tpu.memory_space<semaphore_mem>>
      %dma_start3A_769 = arith.constant 0 : i32
      %dma_start3A_770 = tpu.memref_slice %arg4[%add3A_758, %dma_start3A_769] : memref<819200x128xf32, #tpu.memory_space<hbm>> -> memref<128x64xf32, #tpu.memory_space<hbm>>
      %dma_start3A_771 = arith.constant 0 : i32
      %dma_start3A_772 = arith.constant 0 : i32
      %dma_start3A_773 = tpu.memref_slice %arg6[%dma_start3A_759, %dma_start3A_771, %dma_start3A_772] : memref<8x128x64xf32, #tpu.memory_space<vmem>> -> memref<1x128x64xf32, #tpu.memory_space<vmem>>
      %dma_start3A_774 = tpu.memref_squeeze %dma_start3A_773 : memref<1x128x64xf32, #tpu.memory_space<vmem>> -> memref<128x64xf32, #tpu.memory_space<vmem>>
      tpu.enqueue_dma source(%dma_start3A_774 : memref<128x64xf32, #tpu.memory_space<vmem>>) target(%dma_start3A_770 : memref<128x64xf32, #tpu.memory_space<hbm>>) target_semaphore(%dma_start3A_768 : memref<!tpu.dma_semaphore, #tpu.memory_space<semaphore_mem>>)
      %dma_wait3A_775 = arith.constant 0 : i32
      %dma_wait3A_776 = arith.constant 7 : i32
      %dma_wait3A_777 = arith.constant 7 : i32
      %dma_wait3A_778 = arith.constant 0 : i32
      %dma_wait3A_779 = arith.constant 0 : i32
      %dma_wait3A_780 = tpu.memref_slice %arg6[%dma_wait3A_776, %dma_wait3A_778, %dma_wait3A_779] : memref<8x128x64xf32, #tpu.memory_space<vmem>> -> memref<1x128x64xf32, #tpu.memory_space<vmem>>
      %dma_wait3A_781 = tpu.memref_squeeze %dma_wait3A_780 : memref<1x128x64xf32, #tpu.memory_space<vmem>> -> memref<128x64xf32, #tpu.memory_space<vmem>>
      %dma_wait3A_782 = arith.constant 0 : i32
      %dma_wait3A_783 = tpu.memref_slice %arg5[%dma_wait3A_775, %dma_wait3A_782] : memref<200x128xi32, #tpu.memory_space<vmem>> -> memref<1x128xi32, #tpu.memory_space<vmem>>
      %dma_wait3A_784 = tpu.memref_squeeze %dma_wait3A_783 : memref<1x128xi32, #tpu.memory_space<vmem>> -> memref<128xi32, #tpu.memory_space<vmem>>
      %dma_wait3A_785 = arith.constant 0 : i32
      %dma_wait3A_786 = arith.constant 0 : i32
      %dma_wait3A_787 = tpu.memref_slice %arg7[%dma_wait3A_785, %dma_wait3A_786] : memref<1000x64xf32, #tpu.memory_space<vmem_shared>> -> memref<1000x64xf32, #tpu.memory_space<vmem_shared>>
      %dma_wait3A_788 = tpu.memref_slice %arg8[%dma_wait3A_777] : memref<8x!tpu.dma_semaphore, #tpu.memory_space<semaphore_mem>> -> memref<1x!tpu.dma_semaphore, #tpu.memory_space<semaphore_mem>>
      %dma_wait3A_789 = tpu.memref_squeeze %dma_wait3A_788 : memref<1x!tpu.dma_semaphore, #tpu.memory_space<semaphore_mem>> -> memref<!tpu.dma_semaphore, #tpu.memory_space<semaphore_mem>>
      tpu.wait_indirect_dma semaphore(%dma_wait3A_789 : memref<!tpu.dma_semaphore, #tpu.memory_space<semaphore_mem>>) src(%dma_wait3A_787 : memref<1000x64xf32, #tpu.memory_space<vmem_shared>>) dst(%dma_wait3A_781 : memref<128x64xf32, #tpu.memory_space<vmem>>)
      %add3A_790 = arith.constant 7 : i32
      %add3A_791 = arith.addi %mul3A_522, %add3A_790 : i32
      %mul3A_792 = arith.constant 128 : i32
      %mul3A_793 = arith.muli %add3A_791, %mul3A_792 : i32
      %add3A_794 = arith.addi %mul3A_2, %mul3A_793 : i32
      %dma_start3A_795 = arith.constant 7 : i32
      %dma_start3A_796 = arith.constant 7 : i32
      %dma_start3A_797 = arith.constant 0 : i32
      %dma_start3A_798 = arith.constant 0 : i32
      %dma_start3A_799 = tpu.memref_slice %arg6[%dma_start3A_795, %dma_start3A_797, %dma_start3A_798] : memref<8x128x64xf32, #tpu.memory_space<vmem>> -> memref<1x128x64xf32, #tpu.memory_space<vmem>>
      %dma_start3A_800 = tpu.memref_squeeze %dma_start3A_799 : memref<1x128x64xf32, #tpu.memory_space<vmem>> -> memref<128x64xf32, #tpu.memory_space<vmem>>
      %dma_start3A_801 = arith.constant 0 : i32
      %dma_start3A_802 = tpu.memref_slice %arg4[%add3A_794, %dma_start3A_801] : memref<819200x128xf32, #tpu.memory_space<hbm>> -> memref<128x64xf32, #tpu.memory_space<hbm>>
      %dma_start3A_803 = tpu.memref_slice %arg9[%dma_start3A_796] : memref<8x!tpu.dma_semaphore, #tpu.memory_space<semaphore_mem>> -> memref<1x!tpu.dma_semaphore, #tpu.memory_space<semaphore_mem>>
      %dma_start3A_804 = tpu.memref_squeeze %dma_start3A_803 : memref<1x!tpu.dma_semaphore, #tpu.memory_space<semaphore_mem>> -> memref<!tpu.dma_semaphore, #tpu.memory_space<semaphore_mem>>
      %dma_start3A_805 = arith.constant 0 : i32
      %dma_start3A_806 = tpu.memref_slice %arg4[%add3A_794, %dma_start3A_805] : memref<819200x128xf32, #tpu.memory_space<hbm>> -> memref<128x64xf32, #tpu.memory_space<hbm>>
      %dma_start3A_807 = arith.constant 0 : i32
      %dma_start3A_808 = arith.constant 0 : i32
      %dma_start3A_809 = tpu.memref_slice %arg6[%dma_start3A_795, %dma_start3A_807, %dma_start3A_808] : memref<8x128x64xf32, #tpu.memory_space<vmem>> -> memref<1x128x64xf32, #tpu.memory_space<vmem>>
      %dma_start3A_810 = tpu.memref_squeeze %dma_start3A_809 : memref<1x128x64xf32, #tpu.memory_space<vmem>> -> memref<128x64xf32, #tpu.memory_space<vmem>>
      tpu.enqueue_dma source(%dma_start3A_810 : memref<128x64xf32, #tpu.memory_space<vmem>>) target(%dma_start3A_806 : memref<128x64xf32, #tpu.memory_space<hbm>>) target_semaphore(%dma_start3A_804 : memref<!tpu.dma_semaphore, #tpu.memory_space<semaphore_mem>>)
      %dma_wait3A_811 = arith.constant 0 : i32
      %dma_wait3A_812 = arith.constant 0 : i32
      %dma_wait3A_813 = arith.constant 0 : i32
      %dma_wait3A_814 = arith.constant 0 : i32
      %dma_wait3A_815 = tpu.memref_slice %arg6[%dma_wait3A_811, %dma_wait3A_813, %dma_wait3A_814] : memref<8x128x64xf32, #tpu.memory_space<vmem>> -> memref<1x128x64xf32, #tpu.memory_space<vmem>>
      %dma_wait3A_816 = tpu.memref_squeeze %dma_wait3A_815 : memref<1x128x64xf32, #tpu.memory_space<vmem>> -> memref<128x64xf32, #tpu.memory_space<vmem>>
      %dma_wait3A_817 = arith.constant 0 : i32
      %dma_wait3A_818 = tpu.memref_slice %arg4[%mul3A_2, %dma_wait3A_817] : memref<819200x128xf32, #tpu.memory_space<hbm>> -> memref<128x64xf32, #tpu.memory_space<hbm>>
      %dma_wait3A_819 = tpu.memref_slice %arg9[%dma_wait3A_812] : memref<8x!tpu.dma_semaphore, #tpu.memory_space<semaphore_mem>> -> memref<1x!tpu.dma_semaphore, #tpu.memory_space<semaphore_mem>>
      %dma_wait3A_820 = tpu.memref_squeeze %dma_wait3A_819 : memref<1x!tpu.dma_semaphore, #tpu.memory_space<semaphore_mem>> -> memref<!tpu.dma_semaphore, #tpu.memory_space<semaphore_mem>>
      %dma_wait3A_821 = arith.constant 0 : i32
      %dma_wait3A_822 = arith.constant 0 : i32
      %dma_wait3A_823 = tpu.memref_slice %arg6[%dma_wait3A_811, %dma_wait3A_821, %dma_wait3A_822] : memref<8x128x64xf32, #tpu.memory_space<vmem>> -> memref<1x128x64xf32, #tpu.memory_space<vmem>>
      %dma_wait3A_824 = tpu.memref_squeeze %dma_wait3A_823 : memref<1x128x64xf32, #tpu.memory_space<vmem>> -> memref<128x64xf32, #tpu.memory_space<vmem>>
      %dma_wait3A_825 = arith.constant 0 : i32
      %dma_wait3A_826 = tpu.memref_slice %arg4[%mul3A_2, %dma_wait3A_825] : memref<819200x128xf32, #tpu.memory_space<hbm>> -> memref<128x64xf32, #tpu.memory_space<hbm>>
      tpu.wait_dma2 semaphore(%dma_wait3A_820 : memref<!tpu.dma_semaphore, #tpu.memory_space<semaphore_mem>>) src(%dma_wait3A_826 : memref<128x64xf32, #tpu.memory_space<hbm>>) dst(%dma_wait3A_824 : memref<128x64xf32, #tpu.memory_space<vmem>>)
      %add3A_827 = arith.constant 8 : i32
      %add3A_828 = arith.addi %mul3A_522, %add3A_827 : i32
      %add3A_829 = arith.constant 0 : i32
      %add3A_830 = arith.addi %add3A_828, %add3A_829 : i32
      %dma_start3A_831 = arith.constant 0 : i32
      %dma_start3A_832 = arith.constant 0 : i32
      %dma_start3A_833 = arith.constant 0 : i32
      %dma_start3A_834 = arith.constant 0 : i32
      %dma_start3A_835 = tpu.memref_slice %arg6[%dma_start3A_831, %dma_start3A_833, %dma_start3A_834] : memref<8x128x64xf32, #tpu.memory_space<vmem>> -> memref<1x128x64xf32, #tpu.memory_space<vmem>>
      %dma_start3A_836 = tpu.memref_squeeze %dma_start3A_835 : memref<1x128x64xf32, #tpu.memory_space<vmem>> -> memref<128x64xf32, #tpu.memory_space<vmem>>
      %dma_start3A_837 = arith.constant 0 : i32
      %dma_start3A_838 = tpu.memref_slice %arg5[%add3A_830, %dma_start3A_837] : memref<200x128xi32, #tpu.memory_space<vmem>> -> memref<1x128xi32, #tpu.memory_space<vmem>>
      %dma_start3A_839 = tpu.memref_squeeze %dma_start3A_838 : memref<1x128xi32, #tpu.memory_space<vmem>> -> memref<128xi32, #tpu.memory_space<vmem>>
      %dma_start3A_840 = arith.constant 0 : i32
      %dma_start3A_841 = arith.constant 0 : i32
      %dma_start3A_842 = tpu.memref_slice %arg7[%dma_start3A_840, %dma_start3A_841] : memref<1000x64xf32, #tpu.memory_space<vmem_shared>> -> memref<1000x64xf32, #tpu.memory_space<vmem_shared>>
      %dma_start3A_843 = tpu.memref_slice %arg8[%dma_start3A_832] : memref<8x!tpu.dma_semaphore, #tpu.memory_space<semaphore_mem>> -> memref<1x!tpu.dma_semaphore, #tpu.memory_space<semaphore_mem>>
      %dma_start3A_844 = tpu.memref_squeeze %dma_start3A_843 : memref<1x!tpu.dma_semaphore, #tpu.memory_space<semaphore_mem>> -> memref<!tpu.dma_semaphore, #tpu.memory_space<semaphore_mem>>
      tpu.enqueue_indirect_dma source(%dma_start3A_842 : memref<1000x64xf32, #tpu.memory_space<vmem_shared>>) target(%dma_start3A_836 : memref<128x64xf32, #tpu.memory_space<vmem>>) offsets(%dma_start3A_839 : memref<128xi32, #tpu.memory_space<vmem>>) semaphore(%dma_start3A_844 : memref<!tpu.dma_semaphore, #tpu.memory_space<semaphore_mem>>)
      %dma_wait3A_845 = arith.constant 1 : i32
      %dma_wait3A_846 = arith.constant 1 : i32
      %dma_wait3A_847 = arith.constant 0 : i32
      %dma_wait3A_848 = arith.constant 0 : i32
      %dma_wait3A_849 = tpu.memref_slice %arg6[%dma_wait3A_845, %dma_wait3A_847, %dma_wait3A_848] : memref<8x128x64xf32, #tpu.memory_space<vmem>> -> memref<1x128x64xf32, #tpu.memory_space<vmem>>
      %dma_wait3A_850 = tpu.memref_squeeze %dma_wait3A_849 : memref<1x128x64xf32, #tpu.memory_space<vmem>> -> memref<128x64xf32, #tpu.memory_space<vmem>>
      %dma_wait3A_851 = arith.constant 0 : i32
      %dma_wait3A_852 = tpu.memref_slice %arg4[%mul3A_2, %dma_wait3A_851] : memref<819200x128xf32, #tpu.memory_space<hbm>> -> memref<128x64xf32, #tpu.memory_space<hbm>>
      %dma_wait3A_853 = tpu.memref_slice %arg9[%dma_wait3A_846] : memref<8x!tpu.dma_semaphore, #tpu.memory_space<semaphore_mem>> -> memref<1x!tpu.dma_semaphore, #tpu.memory_space<semaphore_mem>>
      %dma_wait3A_854 = tpu.memref_squeeze %dma_wait3A_853 : memref<1x!tpu.dma_semaphore, #tpu.memory_space<semaphore_mem>> -> memref<!tpu.dma_semaphore, #tpu.memory_space<semaphore_mem>>
      %dma_wait3A_855 = arith.constant 0 : i32
      %dma_wait3A_856 = arith.constant 0 : i32
      %dma_wait3A_857 = tpu.memref_slice %arg6[%dma_wait3A_845, %dma_wait3A_855, %dma_wait3A_856] : memref<8x128x64xf32, #tpu.memory_space<vmem>> -> memref<1x128x64xf32, #tpu.memory_space<vmem>>
      %dma_wait3A_858 = tpu.memref_squeeze %dma_wait3A_857 : memref<1x128x64xf32, #tpu.memory_space<vmem>> -> memref<128x64xf32, #tpu.memory_space<vmem>>
      %dma_wait3A_859 = arith.constant 0 : i32
      %dma_wait3A_860 = tpu.memref_slice %arg4[%mul3A_2, %dma_wait3A_859] : memref<819200x128xf32, #tpu.memory_space<hbm>> -> memref<128x64xf32, #tpu.memory_space<hbm>>
      tpu.wait_dma2 semaphore(%dma_wait3A_854 : memref<!tpu.dma_semaphore, #tpu.memory_space<semaphore_mem>>) src(%dma_wait3A_860 : memref<128x64xf32, #tpu.memory_space<hbm>>) dst(%dma_wait3A_858 : memref<128x64xf32, #tpu.memory_space<vmem>>)
      %add3A_861 = arith.constant 8 : i32
      %add3A_862 = arith.addi %mul3A_522, %add3A_861 : i32
      %add3A_863 = arith.constant 1 : i32
      %add3A_864 = arith.addi %add3A_862, %add3A_863 : i32
      %dma_start3A_865 = arith.constant 1 : i32
      %dma_start3A_866 = arith.constant 1 : i32
      %dma_start3A_867 = arith.constant 0 : i32
      %dma_start3A_868 = arith.constant 0 : i32
      %dma_start3A_869 = tpu.memref_slice %arg6[%dma_start3A_865, %dma_start3A_867, %dma_start3A_868] : memref<8x128x64xf32, #tpu.memory_space<vmem>> -> memref<1x128x64xf32, #tpu.memory_space<vmem>>
      %dma_start3A_870 = tpu.memref_squeeze %dma_start3A_869 : memref<1x128x64xf32, #tpu.memory_space<vmem>> -> memref<128x64xf32, #tpu.memory_space<vmem>>
      %dma_start3A_871 = arith.constant 0 : i32
      %dma_start3A_872 = tpu.memref_slice %arg5[%add3A_864, %dma_start3A_871] : memref<200x128xi32, #tpu.memory_space<vmem>> -> memref<1x128xi32, #tpu.memory_space<vmem>>
      %dma_start3A_873 = tpu.memref_squeeze %dma_start3A_872 : memref<1x128xi32, #tpu.memory_space<vmem>> -> memref<128xi32, #tpu.memory_space<vmem>>
      %dma_start3A_874 = arith.constant 0 : i32
      %dma_start3A_875 = arith.constant 0 : i32
      %dma_start3A_876 = tpu.memref_slice %arg7[%dma_start3A_874, %dma_start3A_875] : memref<1000x64xf32, #tpu.memory_space<vmem_shared>> -> memref<1000x64xf32, #tpu.memory_space<vmem_shared>>
      %dma_start3A_877 = tpu.memref_slice %arg8[%dma_start3A_866] : memref<8x!tpu.dma_semaphore, #tpu.memory_space<semaphore_mem>> -> memref<1x!tpu.dma_semaphore, #tpu.memory_space<semaphore_mem>>
      %dma_start3A_878 = tpu.memref_squeeze %dma_start3A_877 : memref<1x!tpu.dma_semaphore, #tpu.memory_space<semaphore_mem>> -> memref<!tpu.dma_semaphore, #tpu.memory_space<semaphore_mem>>
      tpu.enqueue_indirect_dma source(%dma_start3A_876 : memref<1000x64xf32, #tpu.memory_space<vmem_shared>>) target(%dma_start3A_870 : memref<128x64xf32, #tpu.memory_space<vmem>>) offsets(%dma_start3A_873 : memref<128xi32, #tpu.memory_space<vmem>>) semaphore(%dma_start3A_878 : memref<!tpu.dma_semaphore, #tpu.memory_space<semaphore_mem>>)
      %dma_wait3A_879 = arith.constant 2 : i32
      %dma_wait3A_880 = arith.constant 2 : i32
      %dma_wait3A_881 = arith.constant 0 : i32
      %dma_wait3A_882 = arith.constant 0 : i32
      %dma_wait3A_883 = tpu.memref_slice %arg6[%dma_wait3A_879, %dma_wait3A_881, %dma_wait3A_882] : memref<8x128x64xf32, #tpu.memory_space<vmem>> -> memref<1x128x64xf32, #tpu.memory_space<vmem>>
      %dma_wait3A_884 = tpu.memref_squeeze %dma_wait3A_883 : memref<1x128x64xf32, #tpu.memory_space<vmem>> -> memref<128x64xf32, #tpu.memory_space<vmem>>
      %dma_wait3A_885 = arith.constant 0 : i32
      %dma_wait3A_886 = tpu.memref_slice %arg4[%mul3A_2, %dma_wait3A_885] : memref<819200x128xf32, #tpu.memory_space<hbm>> -> memref<128x64xf32, #tpu.memory_space<hbm>>
      %dma_wait3A_887 = tpu.memref_slice %arg9[%dma_wait3A_880] : memref<8x!tpu.dma_semaphore, #tpu.memory_space<semaphore_mem>> -> memref<1x!tpu.dma_semaphore, #tpu.memory_space<semaphore_mem>>
      %dma_wait3A_888 = tpu.memref_squeeze %dma_wait3A_887 : memref<1x!tpu.dma_semaphore, #tpu.memory_space<semaphore_mem>> -> memref<!tpu.dma_semaphore, #tpu.memory_space<semaphore_mem>>
      %dma_wait3A_889 = arith.constant 0 : i32
      %dma_wait3A_890 = arith.constant 0 : i32
      %dma_wait3A_891 = tpu.memref_slice %arg6[%dma_wait3A_879, %dma_wait3A_889, %dma_wait3A_890] : memref<8x128x64xf32, #tpu.memory_space<vmem>> -> memref<1x128x64xf32, #tpu.memory_space<vmem>>
      %dma_wait3A_892 = tpu.memref_squeeze %dma_wait3A_891 : memref<1x128x64xf32, #tpu.memory_space<vmem>> -> memref<128x64xf32, #tpu.memory_space<vmem>>
      %dma_wait3A_893 = arith.constant 0 : i32
      %dma_wait3A_894 = tpu.memref_slice %arg4[%mul3A_2, %dma_wait3A_893] : memref<819200x128xf32, #tpu.memory_space<hbm>> -> memref<128x64xf32, #tpu.memory_space<hbm>>
      tpu.wait_dma2 semaphore(%dma_wait3A_888 : memref<!tpu.dma_semaphore, #tpu.memory_space<semaphore_mem>>) src(%dma_wait3A_894 : memref<128x64xf32, #tpu.memory_space<hbm>>) dst(%dma_wait3A_892 : memref<128x64xf32, #tpu.memory_space<vmem>>)
      %add3A_895 = arith.constant 8 : i32
      %add3A_896 = arith.addi %mul3A_522, %add3A_895 : i32
      %add3A_897 = arith.constant 2 : i32
      %add3A_898 = arith.addi %add3A_896, %add3A_897 : i32
      %dma_start3A_899 = arith.constant 2 : i32
      %dma_start3A_900 = arith.constant 2 : i32
      %dma_start3A_901 = arith.constant 0 : i32
      %dma_start3A_902 = arith.constant 0 : i32
      %dma_start3A_903 = tpu.memref_slice %arg6[%dma_start3A_899, %dma_start3A_901, %dma_start3A_902] : memref<8x128x64xf32, #tpu.memory_space<vmem>> -> memref<1x128x64xf32, #tpu.memory_space<vmem>>
      %dma_start3A_904 = tpu.memref_squeeze %dma_start3A_903 : memref<1x128x64xf32, #tpu.memory_space<vmem>> -> memref<128x64xf32, #tpu.memory_space<vmem>>
      %dma_start3A_905 = arith.constant 0 : i32
      %dma_start3A_906 = tpu.memref_slice %arg5[%add3A_898, %dma_start3A_905] : memref<200x128xi32, #tpu.memory_space<vmem>> -> memref<1x128xi32, #tpu.memory_space<vmem>>
      %dma_start3A_907 = tpu.memref_squeeze %dma_start3A_906 : memref<1x128xi32, #tpu.memory_space<vmem>> -> memref<128xi32, #tpu.memory_space<vmem>>
      %dma_start3A_908 = arith.constant 0 : i32
      %dma_start3A_909 = arith.constant 0 : i32
      %dma_start3A_910 = tpu.memref_slice %arg7[%dma_start3A_908, %dma_start3A_909] : memref<1000x64xf32, #tpu.memory_space<vmem_shared>> -> memref<1000x64xf32, #tpu.memory_space<vmem_shared>>
      %dma_start3A_911 = tpu.memref_slice %arg8[%dma_start3A_900] : memref<8x!tpu.dma_semaphore, #tpu.memory_space<semaphore_mem>> -> memref<1x!tpu.dma_semaphore, #tpu.memory_space<semaphore_mem>>
      %dma_start3A_912 = tpu.memref_squeeze %dma_start3A_911 : memref<1x!tpu.dma_semaphore, #tpu.memory_space<semaphore_mem>> -> memref<!tpu.dma_semaphore, #tpu.memory_space<semaphore_mem>>
      tpu.enqueue_indirect_dma source(%dma_start3A_910 : memref<1000x64xf32, #tpu.memory_space<vmem_shared>>) target(%dma_start3A_904 : memref<128x64xf32, #tpu.memory_space<vmem>>) offsets(%dma_start3A_907 : memref<128xi32, #tpu.memory_space<vmem>>) semaphore(%dma_start3A_912 : memref<!tpu.dma_semaphore, #tpu.memory_space<semaphore_mem>>)
      %dma_wait3A_913 = arith.constant 3 : i32
      %dma_wait3A_914 = arith.constant 3 : i32
      %dma_wait3A_915 = arith.constant 0 : i32
      %dma_wait3A_916 = arith.constant 0 : i32
      %dma_wait3A_917 = tpu.memref_slice %arg6[%dma_wait3A_913, %dma_wait3A_915, %dma_wait3A_916] : memref<8x128x64xf32, #tpu.memory_space<vmem>> -> memref<1x128x64xf32, #tpu.memory_space<vmem>>
      %dma_wait3A_918 = tpu.memref_squeeze %dma_wait3A_917 : memref<1x128x64xf32, #tpu.memory_space<vmem>> -> memref<128x64xf32, #tpu.memory_space<vmem>>
      %dma_wait3A_919 = arith.constant 0 : i32
      %dma_wait3A_920 = tpu.memref_slice %arg4[%mul3A_2, %dma_wait3A_919] : memref<819200x128xf32, #tpu.memory_space<hbm>> -> memref<128x64xf32, #tpu.memory_space<hbm>>
      %dma_wait3A_921 = tpu.memref_slice %arg9[%dma_wait3A_914] : memref<8x!tpu.dma_semaphore, #tpu.memory_space<semaphore_mem>> -> memref<1x!tpu.dma_semaphore, #tpu.memory_space<semaphore_mem>>
      %dma_wait3A_922 = tpu.memref_squeeze %dma_wait3A_921 : memref<1x!tpu.dma_semaphore, #tpu.memory_space<semaphore_mem>> -> memref<!tpu.dma_semaphore, #tpu.memory_space<semaphore_mem>>
      %dma_wait3A_923 = arith.constant 0 : i32
      %dma_wait3A_924 = arith.constant 0 : i32
      %dma_wait3A_925 = tpu.memref_slice %arg6[%dma_wait3A_913, %dma_wait3A_923, %dma_wait3A_924] : memref<8x128x64xf32, #tpu.memory_space<vmem>> -> memref<1x128x64xf32, #tpu.memory_space<vmem>>
      %dma_wait3A_926 = tpu.memref_squeeze %dma_wait3A_925 : memref<1x128x64xf32, #tpu.memory_space<vmem>> -> memref<128x64xf32, #tpu.memory_space<vmem>>
      %dma_wait3A_927 = arith.constant 0 : i32
      %dma_wait3A_928 = tpu.memref_slice %arg4[%mul3A_2, %dma_wait3A_927] : memref<819200x128xf32, #tpu.memory_space<hbm>> -> memref<128x64xf32, #tpu.memory_space<hbm>>
      tpu.wait_dma2 semaphore(%dma_wait3A_922 : memref<!tpu.dma_semaphore, #tpu.memory_space<semaphore_mem>>) src(%dma_wait3A_928 : memref<128x64xf32, #tpu.memory_space<hbm>>) dst(%dma_wait3A_926 : memref<128x64xf32, #tpu.memory_space<vmem>>)
      %add3A_929 = arith.constant 8 : i32
      %add3A_930 = arith.addi %mul3A_522, %add3A_929 : i32
      %add3A_931 = arith.constant 3 : i32
      %add3A_932 = arith.addi %add3A_930, %add3A_931 : i32
      %dma_start3A_933 = arith.constant 3 : i32
      %dma_start3A_934 = arith.constant 3 : i32
      %dma_start3A_935 = arith.constant 0 : i32
      %dma_start3A_936 = arith.constant 0 : i32
      %dma_start3A_937 = tpu.memref_slice %arg6[%dma_start3A_933, %dma_start3A_935, %dma_start3A_936] : memref<8x128x64xf32, #tpu.memory_space<vmem>> -> memref<1x128x64xf32, #tpu.memory_space<vmem>>
      %dma_start3A_938 = tpu.memref_squeeze %dma_start3A_937 : memref<1x128x64xf32, #tpu.memory_space<vmem>> -> memref<128x64xf32, #tpu.memory_space<vmem>>
      %dma_start3A_939 = arith.constant 0 : i32
      %dma_start3A_940 = tpu.memref_slice %arg5[%add3A_932, %dma_start3A_939] : memref<200x128xi32, #tpu.memory_space<vmem>> -> memref<1x128xi32, #tpu.memory_space<vmem>>
      %dma_start3A_941 = tpu.memref_squeeze %dma_start3A_940 : memref<1x128xi32, #tpu.memory_space<vmem>> -> memref<128xi32, #tpu.memory_space<vmem>>
      %dma_start3A_942 = arith.constant 0 : i32
      %dma_start3A_943 = arith.constant 0 : i32
      %dma_start3A_944 = tpu.memref_slice %arg7[%dma_start3A_942, %dma_start3A_943] : memref<1000x64xf32, #tpu.memory_space<vmem_shared>> -> memref<1000x64xf32, #tpu.memory_space<vmem_shared>>
      %dma_start3A_945 = tpu.memref_slice %arg8[%dma_start3A_934] : memref<8x!tpu.dma_semaphore, #tpu.memory_space<semaphore_mem>> -> memref<1x!tpu.dma_semaphore, #tpu.memory_space<semaphore_mem>>
      %dma_start3A_946 = tpu.memref_squeeze %dma_start3A_945 : memref<1x!tpu.dma_semaphore, #tpu.memory_space<semaphore_mem>> -> memref<!tpu.dma_semaphore, #tpu.memory_space<semaphore_mem>>
      tpu.enqueue_indirect_dma source(%dma_start3A_944 : memref<1000x64xf32, #tpu.memory_space<vmem_shared>>) target(%dma_start3A_938 : memref<128x64xf32, #tpu.memory_space<vmem>>) offsets(%dma_start3A_941 : memref<128xi32, #tpu.memory_space<vmem>>) semaphore(%dma_start3A_946 : memref<!tpu.dma_semaphore, #tpu.memory_space<semaphore_mem>>)
      %dma_wait3A_947 = arith.constant 4 : i32
      %dma_wait3A_948 = arith.constant 4 : i32
      %dma_wait3A_949 = arith.constant 0 : i32
      %dma_wait3A_950 = arith.constant 0 : i32
      %dma_wait3A_951 = tpu.memref_slice %arg6[%dma_wait3A_947, %dma_wait3A_949, %dma_wait3A_950] : memref<8x128x64xf32, #tpu.memory_space<vmem>> -> memref<1x128x64xf32, #tpu.memory_space<vmem>>
      %dma_wait3A_952 = tpu.memref_squeeze %dma_wait3A_951 : memref<1x128x64xf32, #tpu.memory_space<vmem>> -> memref<128x64xf32, #tpu.memory_space<vmem>>
      %dma_wait3A_953 = arith.constant 0 : i32
      %dma_wait3A_954 = tpu.memref_slice %arg4[%mul3A_2, %dma_wait3A_953] : memref<819200x128xf32, #tpu.memory_space<hbm>> -> memref<128x64xf32, #tpu.memory_space<hbm>>
      %dma_wait3A_955 = tpu.memref_slice %arg9[%dma_wait3A_948] : memref<8x!tpu.dma_semaphore, #tpu.memory_space<semaphore_mem>> -> memref<1x!tpu.dma_semaphore, #tpu.memory_space<semaphore_mem>>
      %dma_wait3A_956 = tpu.memref_squeeze %dma_wait3A_955 : memref<1x!tpu.dma_semaphore, #tpu.memory_space<semaphore_mem>> -> memref<!tpu.dma_semaphore, #tpu.memory_space<semaphore_mem>>
      %dma_wait3A_957 = arith.constant 0 : i32
      %dma_wait3A_958 = arith.constant 0 : i32
      %dma_wait3A_959 = tpu.memref_slice %arg6[%dma_wait3A_947, %dma_wait3A_957, %dma_wait3A_958] : memref<8x128x64xf32, #tpu.memory_space<vmem>> -> memref<1x128x64xf32, #tpu.memory_space<vmem>>
      %dma_wait3A_960 = tpu.memref_squeeze %dma_wait3A_959 : memref<1x128x64xf32, #tpu.memory_space<vmem>> -> memref<128x64xf32, #tpu.memory_space<vmem>>
      %dma_wait3A_961 = arith.constant 0 : i32
      %dma_wait3A_962 = tpu.memref_slice %arg4[%mul3A_2, %dma_wait3A_961] : memref<819200x128xf32, #tpu.memory_space<hbm>> -> memref<128x64xf32, #tpu.memory_space<hbm>>
      tpu.wait_dma2 semaphore(%dma_wait3A_956 : memref<!tpu.dma_semaphore, #tpu.memory_space<semaphore_mem>>) src(%dma_wait3A_962 : memref<128x64xf32, #tpu.memory_space<hbm>>) dst(%dma_wait3A_960 : memref<128x64xf32, #tpu.memory_space<vmem>>)
      %add3A_963 = arith.constant 8 : i32
      %add3A_964 = arith.addi %mul3A_522, %add3A_963 : i32
      %add3A_965 = arith.constant 4 : i32
      %add3A_966 = arith.addi %add3A_964, %add3A_965 : i32
      %dma_start3A_967 = arith.constant 4 : i32
      %dma_start3A_968 = arith.constant 4 : i32
      %dma_start3A_969 = arith.constant 0 : i32
      %dma_start3A_970 = arith.constant 0 : i32
      %dma_start3A_971 = tpu.memref_slice %arg6[%dma_start3A_967, %dma_start3A_969, %dma_start3A_970] : memref<8x128x64xf32, #tpu.memory_space<vmem>> -> memref<1x128x64xf32, #tpu.memory_space<vmem>>
      %dma_start3A_972 = tpu.memref_squeeze %dma_start3A_971 : memref<1x128x64xf32, #tpu.memory_space<vmem>> -> memref<128x64xf32, #tpu.memory_space<vmem>>
      %dma_start3A_973 = arith.constant 0 : i32
      %dma_start3A_974 = tpu.memref_slice %arg5[%add3A_966, %dma_start3A_973] : memref<200x128xi32, #tpu.memory_space<vmem>> -> memref<1x128xi32, #tpu.memory_space<vmem>>
      %dma_start3A_975 = tpu.memref_squeeze %dma_start3A_974 : memref<1x128xi32, #tpu.memory_space<vmem>> -> memref<128xi32, #tpu.memory_space<vmem>>
      %dma_start3A_976 = arith.constant 0 : i32
      %dma_start3A_977 = arith.constant 0 : i32
      %dma_start3A_978 = tpu.memref_slice %arg7[%dma_start3A_976, %dma_start3A_977] : memref<1000x64xf32, #tpu.memory_space<vmem_shared>> -> memref<1000x64xf32, #tpu.memory_space<vmem_shared>>
      %dma_start3A_979 = tpu.memref_slice %arg8[%dma_start3A_968] : memref<8x!tpu.dma_semaphore, #tpu.memory_space<semaphore_mem>> -> memref<1x!tpu.dma_semaphore, #tpu.memory_space<semaphore_mem>>
      %dma_start3A_980 = tpu.memref_squeeze %dma_start3A_979 : memref<1x!tpu.dma_semaphore, #tpu.memory_space<semaphore_mem>> -> memref<!tpu.dma_semaphore, #tpu.memory_space<semaphore_mem>>
      tpu.enqueue_indirect_dma source(%dma_start3A_978 : memref<1000x64xf32, #tpu.memory_space<vmem_shared>>) target(%dma_start3A_972 : memref<128x64xf32, #tpu.memory_space<vmem>>) offsets(%dma_start3A_975 : memref<128xi32, #tpu.memory_space<vmem>>) semaphore(%dma_start3A_980 : memref<!tpu.dma_semaphore, #tpu.memory_space<semaphore_mem>>)
      %dma_wait3A_981 = arith.constant 5 : i32
      %dma_wait3A_982 = arith.constant 5 : i32
      %dma_wait3A_983 = arith.constant 0 : i32
      %dma_wait3A_984 = arith.constant 0 : i32
      %dma_wait3A_985 = tpu.memref_slice %arg6[%dma_wait3A_981, %dma_wait3A_983, %dma_wait3A_984] : memref<8x128x64xf32, #tpu.memory_space<vmem>> -> memref<1x128x64xf32, #tpu.memory_space<vmem>>
      %dma_wait3A_986 = tpu.memref_squeeze %dma_wait3A_985 : memref<1x128x64xf32, #tpu.memory_space<vmem>> -> memref<128x64xf32, #tpu.memory_space<vmem>>
      %dma_wait3A_987 = arith.constant 0 : i32
      %dma_wait3A_988 = tpu.memref_slice %arg4[%mul3A_2, %dma_wait3A_987] : memref<819200x128xf32, #tpu.memory_space<hbm>> -> memref<128x64xf32, #tpu.memory_space<hbm>>
      %dma_wait3A_989 = tpu.memref_slice %arg9[%dma_wait3A_982] : memref<8x!tpu.dma_semaphore, #tpu.memory_space<semaphore_mem>> -> memref<1x!tpu.dma_semaphore, #tpu.memory_space<semaphore_mem>>
      %dma_wait3A_990 = tpu.memref_squeeze %dma_wait3A_989 : memref<1x!tpu.dma_semaphore, #tpu.memory_space<semaphore_mem>> -> memref<!tpu.dma_semaphore, #tpu.memory_space<semaphore_mem>>
      %dma_wait3A_991 = arith.constant 0 : i32
      %dma_wait3A_992 = arith.constant 0 : i32
      %dma_wait3A_993 = tpu.memref_slice %arg6[%dma_wait3A_981, %dma_wait3A_991, %dma_wait3A_992] : memref<8x128x64xf32, #tpu.memory_space<vmem>> -> memref<1x128x64xf32, #tpu.memory_space<vmem>>
      %dma_wait3A_994 = tpu.memref_squeeze %dma_wait3A_993 : memref<1x128x64xf32, #tpu.memory_space<vmem>> -> memref<128x64xf32, #tpu.memory_space<vmem>>
      %dma_wait3A_995 = arith.constant 0 : i32
      %dma_wait3A_996 = tpu.memref_slice %arg4[%mul3A_2, %dma_wait3A_995] : memref<819200x128xf32, #tpu.memory_space<hbm>> -> memref<128x64xf32, #tpu.memory_space<hbm>>
      tpu.wait_dma2 semaphore(%dma_wait3A_990 : memref<!tpu.dma_semaphore, #tpu.memory_space<semaphore_mem>>) src(%dma_wait3A_996 : memref<128x64xf32, #tpu.memory_space<hbm>>) dst(%dma_wait3A_994 : memref<128x64xf32, #tpu.memory_space<vmem>>)
      %add3A_997 = arith.constant 8 : i32
      %add3A_998 = arith.addi %mul3A_522, %add3A_997 : i32
      %add3A_999 = arith.constant 5 : i32
      %add3A_1000 = arith.addi %add3A_998, %add3A_999 : i32
      %dma_start3A_1001 = arith.constant 5 : i32
      %dma_start3A_1002 = arith.constant 5 : i32
      %dma_start3A_1003 = arith.constant 0 : i32
      %dma_start3A_1004 = arith.constant 0 : i32
      %dma_start3A_1005 = tpu.memref_slice %arg6[%dma_start3A_1001, %dma_start3A_1003, %dma_start3A_1004] : memref<8x128x64xf32, #tpu.memory_space<vmem>> -> memref<1x128x64xf32, #tpu.memory_space<vmem>>
      %dma_start3A_1006 = tpu.memref_squeeze %dma_start3A_1005 : memref<1x128x64xf32, #tpu.memory_space<vmem>> -> memref<128x64xf32, #tpu.memory_space<vmem>>
      %dma_start3A_1007 = arith.constant 0 : i32
      %dma_start3A_1008 = tpu.memref_slice %arg5[%add3A_1000, %dma_start3A_1007] : memref<200x128xi32, #tpu.memory_space<vmem>> -> memref<1x128xi32, #tpu.memory_space<vmem>>
      %dma_start3A_1009 = tpu.memref_squeeze %dma_start3A_1008 : memref<1x128xi32, #tpu.memory_space<vmem>> -> memref<128xi32, #tpu.memory_space<vmem>>
      %dma_start3A_1010 = arith.constant 0 : i32
      %dma_start3A_1011 = arith.constant 0 : i32
      %dma_start3A_1012 = tpu.memref_slice %arg7[%dma_start3A_1010, %dma_start3A_1011] : memref<1000x64xf32, #tpu.memory_space<vmem_shared>> -> memref<1000x64xf32, #tpu.memory_space<vmem_shared>>
      %dma_start3A_1013 = tpu.memref_slice %arg8[%dma_start3A_1002] : memref<8x!tpu.dma_semaphore, #tpu.memory_space<semaphore_mem>> -> memref<1x!tpu.dma_semaphore, #tpu.memory_space<semaphore_mem>>
      %dma_start3A_1014 = tpu.memref_squeeze %dma_start3A_1013 : memref<1x!tpu.dma_semaphore, #tpu.memory_space<semaphore_mem>> -> memref<!tpu.dma_semaphore, #tpu.memory_space<semaphore_mem>>
      tpu.enqueue_indirect_dma source(%dma_start3A_1012 : memref<1000x64xf32, #tpu.memory_space<vmem_shared>>) target(%dma_start3A_1006 : memref<128x64xf32, #tpu.memory_space<vmem>>) offsets(%dma_start3A_1009 : memref<128xi32, #tpu.memory_space<vmem>>) semaphore(%dma_start3A_1014 : memref<!tpu.dma_semaphore, #tpu.memory_space<semaphore_mem>>)
      %dma_wait3A_1015 = arith.constant 6 : i32
      %dma_wait3A_1016 = arith.constant 6 : i32
      %dma_wait3A_1017 = arith.constant 0 : i32
      %dma_wait3A_1018 = arith.constant 0 : i32
      %dma_wait3A_1019 = tpu.memref_slice %arg6[%dma_wait3A_1015, %dma_wait3A_1017, %dma_wait3A_1018] : memref<8x128x64xf32, #tpu.memory_space<vmem>> -> memref<1x128x64xf32, #tpu.memory_space<vmem>>
      %dma_wait3A_1020 = tpu.memref_squeeze %dma_wait3A_1019 : memref<1x128x64xf32, #tpu.memory_space<vmem>> -> memref<128x64xf32, #tpu.memory_space<vmem>>
      %dma_wait3A_1021 = arith.constant 0 : i32
      %dma_wait3A_1022 = tpu.memref_slice %arg4[%mul3A_2, %dma_wait3A_1021] : memref<819200x128xf32, #tpu.memory_space<hbm>> -> memref<128x64xf32, #tpu.memory_space<hbm>>
      %dma_wait3A_1023 = tpu.memref_slice %arg9[%dma_wait3A_1016] : memref<8x!tpu.dma_semaphore, #tpu.memory_space<semaphore_mem>> -> memref<1x!tpu.dma_semaphore, #tpu.memory_space<semaphore_mem>>
      %dma_wait3A_1024 = tpu.memref_squeeze %dma_wait3A_1023 : memref<1x!tpu.dma_semaphore, #tpu.memory_space<semaphore_mem>> -> memref<!tpu.dma_semaphore, #tpu.memory_space<semaphore_mem>>
      %dma_wait3A_1025 = arith.constant 0 : i32
      %dma_wait3A_1026 = arith.constant 0 : i32
      %dma_wait3A_1027 = tpu.memref_slice %arg6[%dma_wait3A_1015, %dma_wait3A_1025, %dma_wait3A_1026] : memref<8x128x64xf32, #tpu.memory_space<vmem>> -> memref<1x128x64xf32, #tpu.memory_space<vmem>>
      %dma_wait3A_1028 = tpu.memref_squeeze %dma_wait3A_1027 : memref<1x128x64xf32, #tpu.memory_space<vmem>> -> memref<128x64xf32, #tpu.memory_space<vmem>>
      %dma_wait3A_1029 = arith.constant 0 : i32
      %dma_wait3A_1030 = tpu.memref_slice %arg4[%mul3A_2, %dma_wait3A_1029] : memref<819200x128xf32, #tpu.memory_space<hbm>> -> memref<128x64xf32, #tpu.memory_space<hbm>>
      tpu.wait_dma2 semaphore(%dma_wait3A_1024 : memref<!tpu.dma_semaphore, #tpu.memory_space<semaphore_mem>>) src(%dma_wait3A_1030 : memref<128x64xf32, #tpu.memory_space<hbm>>) dst(%dma_wait3A_1028 : memref<128x64xf32, #tpu.memory_space<vmem>>)
      %add3A_1031 = arith.constant 8 : i32
      %add3A_1032 = arith.addi %mul3A_522, %add3A_1031 : i32
      %add3A_1033 = arith.constant 6 : i32
      %add3A_1034 = arith.addi %add3A_1032, %add3A_1033 : i32
      %dma_start3A_1035 = arith.constant 6 : i32
      %dma_start3A_1036 = arith.constant 6 : i32
      %dma_start3A_1037 = arith.constant 0 : i32
      %dma_start3A_1038 = arith.constant 0 : i32
      %dma_start3A_1039 = tpu.memref_slice %arg6[%dma_start3A_1035, %dma_start3A_1037, %dma_start3A_1038] : memref<8x128x64xf32, #tpu.memory_space<vmem>> -> memref<1x128x64xf32, #tpu.memory_space<vmem>>
      %dma_start3A_1040 = tpu.memref_squeeze %dma_start3A_1039 : memref<1x128x64xf32, #tpu.memory_space<vmem>> -> memref<128x64xf32, #tpu.memory_space<vmem>>
      %dma_start3A_1041 = arith.constant 0 : i32
      %dma_start3A_1042 = tpu.memref_slice %arg5[%add3A_1034, %dma_start3A_1041] : memref<200x128xi32, #tpu.memory_space<vmem>> -> memref<1x128xi32, #tpu.memory_space<vmem>>
      %dma_start3A_1043 = tpu.memref_squeeze %dma_start3A_1042 : memref<1x128xi32, #tpu.memory_space<vmem>> -> memref<128xi32, #tpu.memory_space<vmem>>
      %dma_start3A_1044 = arith.constant 0 : i32
      %dma_start3A_1045 = arith.constant 0 : i32
      %dma_start3A_1046 = tpu.memref_slice %arg7[%dma_start3A_1044, %dma_start3A_1045] : memref<1000x64xf32, #tpu.memory_space<vmem_shared>> -> memref<1000x64xf32, #tpu.memory_space<vmem_shared>>
      %dma_start3A_1047 = tpu.memref_slice %arg8[%dma_start3A_1036] : memref<8x!tpu.dma_semaphore, #tpu.memory_space<semaphore_mem>> -> memref<1x!tpu.dma_semaphore, #tpu.memory_space<semaphore_mem>>
      %dma_start3A_1048 = tpu.memref_squeeze %dma_start3A_1047 : memref<1x!tpu.dma_semaphore, #tpu.memory_space<semaphore_mem>> -> memref<!tpu.dma_semaphore, #tpu.memory_space<semaphore_mem>>
      tpu.enqueue_indirect_dma source(%dma_start3A_1046 : memref<1000x64xf32, #tpu.memory_space<vmem_shared>>) target(%dma_start3A_1040 : memref<128x64xf32, #tpu.memory_space<vmem>>) offsets(%dma_start3A_1043 : memref<128xi32, #tpu.memory_space<vmem>>) semaphore(%dma_start3A_1048 : memref<!tpu.dma_semaphore, #tpu.memory_space<semaphore_mem>>)
      %dma_wait3A_1049 = arith.constant 7 : i32
      %dma_wait3A_1050 = arith.constant 7 : i32
      %dma_wait3A_1051 = arith.constant 0 : i32
      %dma_wait3A_1052 = arith.constant 0 : i32
      %dma_wait3A_1053 = tpu.memref_slice %arg6[%dma_wait3A_1049, %dma_wait3A_1051, %dma_wait3A_1052] : memref<8x128x64xf32, #tpu.memory_space<vmem>> -> memref<1x128x64xf32, #tpu.memory_space<vmem>>
      %dma_wait3A_1054 = tpu.memref_squeeze %dma_wait3A_1053 : memref<1x128x64xf32, #tpu.memory_space<vmem>> -> memref<128x64xf32, #tpu.memory_space<vmem>>
      %dma_wait3A_1055 = arith.constant 0 : i32
      %dma_wait3A_1056 = tpu.memref_slice %arg4[%mul3A_2, %dma_wait3A_1055] : memref<819200x128xf32, #tpu.memory_space<hbm>> -> memref<128x64xf32, #tpu.memory_space<hbm>>
      %dma_wait3A_1057 = tpu.memref_slice %arg9[%dma_wait3A_1050] : memref<8x!tpu.dma_semaphore, #tpu.memory_space<semaphore_mem>> -> memref<1x!tpu.dma_semaphore, #tpu.memory_space<semaphore_mem>>
      %dma_wait3A_1058 = tpu.memref_squeeze %dma_wait3A_1057 : memref<1x!tpu.dma_semaphore, #tpu.memory_space<semaphore_mem>> -> memref<!tpu.dma_semaphore, #tpu.memory_space<semaphore_mem>>
      %dma_wait3A_1059 = arith.constant 0 : i32
      %dma_wait3A_1060 = arith.constant 0 : i32
      %dma_wait3A_1061 = tpu.memref_slice %arg6[%dma_wait3A_1049, %dma_wait3A_1059, %dma_wait3A_1060] : memref<8x128x64xf32, #tpu.memory_space<vmem>> -> memref<1x128x64xf32, #tpu.memory_space<vmem>>
      %dma_wait3A_1062 = tpu.memref_squeeze %dma_wait3A_1061 : memref<1x128x64xf32, #tpu.memory_space<vmem>> -> memref<128x64xf32, #tpu.memory_space<vmem>>
      %dma_wait3A_1063 = arith.constant 0 : i32
      %dma_wait3A_1064 = tpu.memref_slice %arg4[%mul3A_2, %dma_wait3A_1063] : memref<819200x128xf32, #tpu.memory_space<hbm>> -> memref<128x64xf32, #tpu.memory_space<hbm>>
      tpu.wait_dma2 semaphore(%dma_wait3A_1058 : memref<!tpu.dma_semaphore, #tpu.memory_space<semaphore_mem>>) src(%dma_wait3A_1064 : memref<128x64xf32, #tpu.memory_space<hbm>>) dst(%dma_wait3A_1062 : memref<128x64xf32, #tpu.memory_space<vmem>>)
      %add3A_1065 = arith.constant 8 : i32
      %add3A_1066 = arith.addi %mul3A_522, %add3A_1065 : i32
      %add3A_1067 = arith.constant 7 : i32
      %add3A_1068 = arith.addi %add3A_1066, %add3A_1067 : i32
      %dma_start3A_1069 = arith.constant 7 : i32
      %dma_start3A_1070 = arith.constant 7 : i32
      %dma_start3A_1071 = arith.constant 0 : i32
      %dma_start3A_1072 = arith.constant 0 : i32
      %dma_start3A_1073 = tpu.memref_slice %arg6[%dma_start3A_1069, %dma_start3A_1071, %dma_start3A_1072] : memref<8x128x64xf32, #tpu.memory_space<vmem>> -> memref<1x128x64xf32, #tpu.memory_space<vmem>>
      %dma_start3A_1074 = tpu.memref_squeeze %dma_start3A_1073 : memref<1x128x64xf32, #tpu.memory_space<vmem>> -> memref<128x64xf32, #tpu.memory_space<vmem>>
      %dma_start3A_1075 = arith.constant 0 : i32
      %dma_start3A_1076 = tpu.memref_slice %arg5[%add3A_1068, %dma_start3A_1075] : memref<200x128xi32, #tpu.memory_space<vmem>> -> memref<1x128xi32, #tpu.memory_space<vmem>>
      %dma_start3A_1077 = tpu.memref_squeeze %dma_start3A_1076 : memref<1x128xi32, #tpu.memory_space<vmem>> -> memref<128xi32, #tpu.memory_space<vmem>>
      %dma_start3A_1078 = arith.constant 0 : i32
      %dma_start3A_1079 = arith.constant 0 : i32
      %dma_start3A_1080 = tpu.memref_slice %arg7[%dma_start3A_1078, %dma_start3A_1079] : memref<1000x64xf32, #tpu.memory_space<vmem_shared>> -> memref<1000x64xf32, #tpu.memory_space<vmem_shared>>
      %dma_start3A_1081 = tpu.memref_slice %arg8[%dma_start3A_1070] : memref<8x!tpu.dma_semaphore, #tpu.memory_space<semaphore_mem>> -> memref<1x!tpu.dma_semaphore, #tpu.memory_space<semaphore_mem>>
      %dma_start3A_1082 = tpu.memref_squeeze %dma_start3A_1081 : memref<1x!tpu.dma_semaphore, #tpu.memory_space<semaphore_mem>> -> memref<!tpu.dma_semaphore, #tpu.memory_space<semaphore_mem>>
      tpu.enqueue_indirect_dma source(%dma_start3A_1080 : memref<1000x64xf32, #tpu.memory_space<vmem_shared>>) target(%dma_start3A_1074 : memref<128x64xf32, #tpu.memory_space<vmem>>) offsets(%dma_start3A_1077 : memref<128xi32, #tpu.memory_space<vmem>>) semaphore(%dma_start3A_1082 : memref<!tpu.dma_semaphore, #tpu.memory_space<semaphore_mem>>)
    }
    %scan3A_128 = arith.constant 24 : i32
    %dma_wait3A = arith.constant 0 : i32
    %dma_wait3A_129 = arith.constant 0 : i32
    %dma_wait3A_130 = arith.constant 0 : i32
    %dma_wait3A_131 = arith.constant 0 : i32
    %dma_wait3A_132 = arith.constant 0 : i32
    %dma_wait3A_133 = tpu.memref_slice %arg6[%dma_wait3A_129, %dma_wait3A_131, %dma_wait3A_132] : memref<8x128x64xf32, #tpu.memory_space<vmem>> -> memref<1x128x64xf32, #tpu.memory_space<vmem>>
    %dma_wait3A_134 = tpu.memref_squeeze %dma_wait3A_133 : memref<1x128x64xf32, #tpu.memory_space<vmem>> -> memref<128x64xf32, #tpu.memory_space<vmem>>
    %dma_wait3A_135 = arith.constant 0 : i32
    %dma_wait3A_136 = tpu.memref_slice %arg5[%dma_wait3A, %dma_wait3A_135] : memref<200x128xi32, #tpu.memory_space<vmem>> -> memref<1x128xi32, #tpu.memory_space<vmem>>
    %dma_wait3A_137 = tpu.memref_squeeze %dma_wait3A_136 : memref<1x128xi32, #tpu.memory_space<vmem>> -> memref<128xi32, #tpu.memory_space<vmem>>
    %dma_wait3A_138 = arith.constant 0 : i32
    %dma_wait3A_139 = arith.constant 0 : i32
    %dma_wait3A_140 = tpu.memref_slice %arg7[%dma_wait3A_138, %dma_wait3A_139] : memref<1000x64xf32, #tpu.memory_space<vmem_shared>> -> memref<1000x64xf32, #tpu.memory_space<vmem_shared>>
    %dma_wait3A_141 = tpu.memref_slice %arg8[%dma_wait3A_130] : memref<8x!tpu.dma_semaphore, #tpu.memory_space<semaphore_mem>> -> memref<1x!tpu.dma_semaphore, #tpu.memory_space<semaphore_mem>>
    %dma_wait3A_142 = tpu.memref_squeeze %dma_wait3A_141 : memref<1x!tpu.dma_semaphore, #tpu.memory_space<semaphore_mem>> -> memref<!tpu.dma_semaphore, #tpu.memory_space<semaphore_mem>>
    tpu.wait_indirect_dma semaphore(%dma_wait3A_142 : memref<!tpu.dma_semaphore, #tpu.memory_space<semaphore_mem>>) src(%dma_wait3A_140 : memref<1000x64xf32, #tpu.memory_space<vmem_shared>>) dst(%dma_wait3A_134 : memref<128x64xf32, #tpu.memory_space<vmem>>)
    %add3A_143 = arith.constant 24576 : i32
    %add3A_144 = arith.addi %mul3A_2, %add3A_143 : i32
    %dma_start3A_145 = arith.constant 0 : i32
    %dma_start3A_146 = arith.constant 0 : i32
    %dma_start3A_147 = arith.constant 0 : i32
    %dma_start3A_148 = arith.constant 0 : i32
    %dma_start3A_149 = tpu.memref_slice %arg6[%dma_start3A_145, %dma_start3A_147, %dma_start3A_148] : memref<8x128x64xf32, #tpu.memory_space<vmem>> -> memref<1x128x64xf32, #tpu.memory_space<vmem>>
    %dma_start3A_150 = tpu.memref_squeeze %dma_start3A_149 : memref<1x128x64xf32, #tpu.memory_space<vmem>> -> memref<128x64xf32, #tpu.memory_space<vmem>>
    %dma_start3A_151 = arith.constant 0 : i32
    %dma_start3A_152 = tpu.memref_slice %arg4[%add3A_144, %dma_start3A_151] : memref<819200x128xf32, #tpu.memory_space<hbm>> -> memref<128x64xf32, #tpu.memory_space<hbm>>
    %dma_start3A_153 = tpu.memref_slice %arg9[%dma_start3A_146] : memref<8x!tpu.dma_semaphore, #tpu.memory_space<semaphore_mem>> -> memref<1x!tpu.dma_semaphore, #tpu.memory_space<semaphore_mem>>
    %dma_start3A_154 = tpu.memref_squeeze %dma_start3A_153 : memref<1x!tpu.dma_semaphore, #tpu.memory_space<semaphore_mem>> -> memref<!tpu.dma_semaphore, #tpu.memory_space<semaphore_mem>>
    %dma_start3A_155 = arith.constant 0 : i32
    %dma_start3A_156 = tpu.memref_slice %arg4[%add3A_144, %dma_start3A_155] : memref<819200x128xf32, #tpu.memory_space<hbm>> -> memref<128x64xf32, #tpu.memory_space<hbm>>
    %dma_start3A_157 = arith.constant 0 : i32
    %dma_start3A_158 = arith.constant 0 : i32
    %dma_start3A_159 = tpu.memref_slice %arg6[%dma_start3A_145, %dma_start3A_157, %dma_start3A_158] : memref<8x128x64xf32, #tpu.memory_space<vmem>> -> memref<1x128x64xf32, #tpu.memory_space<vmem>>
    %dma_start3A_160 = tpu.memref_squeeze %dma_start3A_159 : memref<1x128x64xf32, #tpu.memory_space<vmem>> -> memref<128x64xf32, #tpu.memory_space<vmem>>
    tpu.enqueue_dma source(%dma_start3A_160 : memref<128x64xf32, #tpu.memory_space<vmem>>) target(%dma_start3A_156 : memref<128x64xf32, #tpu.memory_space<hbm>>) target_semaphore(%dma_start3A_154 : memref<!tpu.dma_semaphore, #tpu.memory_space<semaphore_mem>>)
    %dma_wait3A_161 = arith.constant 0 : i32
    %dma_wait3A_162 = arith.constant 1 : i32
    %dma_wait3A_163 = arith.constant 1 : i32
    %dma_wait3A_164 = arith.constant 0 : i32
    %dma_wait3A_165 = arith.constant 0 : i32
    %dma_wait3A_166 = tpu.memref_slice %arg6[%dma_wait3A_162, %dma_wait3A_164, %dma_wait3A_165] : memref<8x128x64xf32, #tpu.memory_space<vmem>> -> memref<1x128x64xf32, #tpu.memory_space<vmem>>
    %dma_wait3A_167 = tpu.memref_squeeze %dma_wait3A_166 : memref<1x128x64xf32, #tpu.memory_space<vmem>> -> memref<128x64xf32, #tpu.memory_space<vmem>>
    %dma_wait3A_168 = arith.constant 0 : i32
    %dma_wait3A_169 = tpu.memref_slice %arg5[%dma_wait3A_161, %dma_wait3A_168] : memref<200x128xi32, #tpu.memory_space<vmem>> -> memref<1x128xi32, #tpu.memory_space<vmem>>
    %dma_wait3A_170 = tpu.memref_squeeze %dma_wait3A_169 : memref<1x128xi32, #tpu.memory_space<vmem>> -> memref<128xi32, #tpu.memory_space<vmem>>
    %dma_wait3A_171 = arith.constant 0 : i32
    %dma_wait3A_172 = arith.constant 0 : i32
    %dma_wait3A_173 = tpu.memref_slice %arg7[%dma_wait3A_171, %dma_wait3A_172] : memref<1000x64xf32, #tpu.memory_space<vmem_shared>> -> memref<1000x64xf32, #tpu.memory_space<vmem_shared>>
    %dma_wait3A_174 = tpu.memref_slice %arg8[%dma_wait3A_163] : memref<8x!tpu.dma_semaphore, #tpu.memory_space<semaphore_mem>> -> memref<1x!tpu.dma_semaphore, #tpu.memory_space<semaphore_mem>>
    %dma_wait3A_175 = tpu.memref_squeeze %dma_wait3A_174 : memref<1x!tpu.dma_semaphore, #tpu.memory_space<semaphore_mem>> -> memref<!tpu.dma_semaphore, #tpu.memory_space<semaphore_mem>>
    tpu.wait_indirect_dma semaphore(%dma_wait3A_175 : memref<!tpu.dma_semaphore, #tpu.memory_space<semaphore_mem>>) src(%dma_wait3A_173 : memref<1000x64xf32, #tpu.memory_space<vmem_shared>>) dst(%dma_wait3A_167 : memref<128x64xf32, #tpu.memory_space<vmem>>)
    %add3A_176 = arith.constant 24704 : i32
    %add3A_177 = arith.addi %mul3A_2, %add3A_176 : i32
    %dma_start3A_178 = arith.constant 1 : i32
    %dma_start3A_179 = arith.constant 1 : i32
    %dma_start3A_180 = arith.constant 0 : i32
    %dma_start3A_181 = arith.constant 0 : i32
    %dma_start3A_182 = tpu.memref_slice %arg6[%dma_start3A_178, %dma_start3A_180, %dma_start3A_181] : memref<8x128x64xf32, #tpu.memory_space<vmem>> -> memref<1x128x64xf32, #tpu.memory_space<vmem>>
    %dma_start3A_183 = tpu.memref_squeeze %dma_start3A_182 : memref<1x128x64xf32, #tpu.memory_space<vmem>> -> memref<128x64xf32, #tpu.memory_space<vmem>>
    %dma_start3A_184 = arith.constant 0 : i32
    %dma_start3A_185 = tpu.memref_slice %arg4[%add3A_177, %dma_start3A_184] : memref<819200x128xf32, #tpu.memory_space<hbm>> -> memref<128x64xf32, #tpu.memory_space<hbm>>
    %dma_start3A_186 = tpu.memref_slice %arg9[%dma_start3A_179] : memref<8x!tpu.dma_semaphore, #tpu.memory_space<semaphore_mem>> -> memref<1x!tpu.dma_semaphore, #tpu.memory_space<semaphore_mem>>
    %dma_start3A_187 = tpu.memref_squeeze %dma_start3A_186 : memref<1x!tpu.dma_semaphore, #tpu.memory_space<semaphore_mem>> -> memref<!tpu.dma_semaphore, #tpu.memory_space<semaphore_mem>>
    %dma_start3A_188 = arith.constant 0 : i32
    %dma_start3A_189 = tpu.memref_slice %arg4[%add3A_177, %dma_start3A_188] : memref<819200x128xf32, #tpu.memory_space<hbm>> -> memref<128x64xf32, #tpu.memory_space<hbm>>
    %dma_start3A_190 = arith.constant 0 : i32
    %dma_start3A_191 = arith.constant 0 : i32
    %dma_start3A_192 = tpu.memref_slice %arg6[%dma_start3A_178, %dma_start3A_190, %dma_start3A_191] : memref<8x128x64xf32, #tpu.memory_space<vmem>> -> memref<1x128x64xf32, #tpu.memory_space<vmem>>
    %dma_start3A_193 = tpu.memref_squeeze %dma_start3A_192 : memref<1x128x64xf32, #tpu.memory_space<vmem>> -> memref<128x64xf32, #tpu.memory_space<vmem>>
    tpu.enqueue_dma source(%dma_start3A_193 : memref<128x64xf32, #tpu.memory_space<vmem>>) target(%dma_start3A_189 : memref<128x64xf32, #tpu.memory_space<hbm>>) target_semaphore(%dma_start3A_187 : memref<!tpu.dma_semaphore, #tpu.memory_space<semaphore_mem>>)
    %dma_wait3A_194 = arith.constant 0 : i32
    %dma_wait3A_195 = arith.constant 2 : i32
    %dma_wait3A_196 = arith.constant 2 : i32
    %dma_wait3A_197 = arith.constant 0 : i32
    %dma_wait3A_198 = arith.constant 0 : i32
    %dma_wait3A_199 = tpu.memref_slice %arg6[%dma_wait3A_195, %dma_wait3A_197, %dma_wait3A_198] : memref<8x128x64xf32, #tpu.memory_space<vmem>> -> memref<1x128x64xf32, #tpu.memory_space<vmem>>
    %dma_wait3A_200 = tpu.memref_squeeze %dma_wait3A_199 : memref<1x128x64xf32, #tpu.memory_space<vmem>> -> memref<128x64xf32, #tpu.memory_space<vmem>>
    %dma_wait3A_201 = arith.constant 0 : i32
    %dma_wait3A_202 = tpu.memref_slice %arg5[%dma_wait3A_194, %dma_wait3A_201] : memref<200x128xi32, #tpu.memory_space<vmem>> -> memref<1x128xi32, #tpu.memory_space<vmem>>
    %dma_wait3A_203 = tpu.memref_squeeze %dma_wait3A_202 : memref<1x128xi32, #tpu.memory_space<vmem>> -> memref<128xi32, #tpu.memory_space<vmem>>
    %dma_wait3A_204 = arith.constant 0 : i32
    %dma_wait3A_205 = arith.constant 0 : i32
    %dma_wait3A_206 = tpu.memref_slice %arg7[%dma_wait3A_204, %dma_wait3A_205] : memref<1000x64xf32, #tpu.memory_space<vmem_shared>> -> memref<1000x64xf32, #tpu.memory_space<vmem_shared>>
    %dma_wait3A_207 = tpu.memref_slice %arg8[%dma_wait3A_196] : memref<8x!tpu.dma_semaphore, #tpu.memory_space<semaphore_mem>> -> memref<1x!tpu.dma_semaphore, #tpu.memory_space<semaphore_mem>>
    %dma_wait3A_208 = tpu.memref_squeeze %dma_wait3A_207 : memref<1x!tpu.dma_semaphore, #tpu.memory_space<semaphore_mem>> -> memref<!tpu.dma_semaphore, #tpu.memory_space<semaphore_mem>>
    tpu.wait_indirect_dma semaphore(%dma_wait3A_208 : memref<!tpu.dma_semaphore, #tpu.memory_space<semaphore_mem>>) src(%dma_wait3A_206 : memref<1000x64xf32, #tpu.memory_space<vmem_shared>>) dst(%dma_wait3A_200 : memref<128x64xf32, #tpu.memory_space<vmem>>)
    %add3A_209 = arith.constant 24832 : i32
    %add3A_210 = arith.addi %mul3A_2, %add3A_209 : i32
    %dma_start3A_211 = arith.constant 2 : i32
    %dma_start3A_212 = arith.constant 2 : i32
    %dma_start3A_213 = arith.constant 0 : i32
    %dma_start3A_214 = arith.constant 0 : i32
    %dma_start3A_215 = tpu.memref_slice %arg6[%dma_start3A_211, %dma_start3A_213, %dma_start3A_214] : memref<8x128x64xf32, #tpu.memory_space<vmem>> -> memref<1x128x64xf32, #tpu.memory_space<vmem>>
    %dma_start3A_216 = tpu.memref_squeeze %dma_start3A_215 : memref<1x128x64xf32, #tpu.memory_space<vmem>> -> memref<128x64xf32, #tpu.memory_space<vmem>>
    %dma_start3A_217 = arith.constant 0 : i32
    %dma_start3A_218 = tpu.memref_slice %arg4[%add3A_210, %dma_start3A_217] : memref<819200x128xf32, #tpu.memory_space<hbm>> -> memref<128x64xf32, #tpu.memory_space<hbm>>
    %dma_start3A_219 = tpu.memref_slice %arg9[%dma_start3A_212] : memref<8x!tpu.dma_semaphore, #tpu.memory_space<semaphore_mem>> -> memref<1x!tpu.dma_semaphore, #tpu.memory_space<semaphore_mem>>
    %dma_start3A_220 = tpu.memref_squeeze %dma_start3A_219 : memref<1x!tpu.dma_semaphore, #tpu.memory_space<semaphore_mem>> -> memref<!tpu.dma_semaphore, #tpu.memory_space<semaphore_mem>>
    %dma_start3A_221 = arith.constant 0 : i32
    %dma_start3A_222 = tpu.memref_slice %arg4[%add3A_210, %dma_start3A_221] : memref<819200x128xf32, #tpu.memory_space<hbm>> -> memref<128x64xf32, #tpu.memory_space<hbm>>
    %dma_start3A_223 = arith.constant 0 : i32
    %dma_start3A_224 = arith.constant 0 : i32
    %dma_start3A_225 = tpu.memref_slice %arg6[%dma_start3A_211, %dma_start3A_223, %dma_start3A_224] : memref<8x128x64xf32, #tpu.memory_space<vmem>> -> memref<1x128x64xf32, #tpu.memory_space<vmem>>
    %dma_start3A_226 = tpu.memref_squeeze %dma_start3A_225 : memref<1x128x64xf32, #tpu.memory_space<vmem>> -> memref<128x64xf32, #tpu.memory_space<vmem>>
    tpu.enqueue_dma source(%dma_start3A_226 : memref<128x64xf32, #tpu.memory_space<vmem>>) target(%dma_start3A_222 : memref<128x64xf32, #tpu.memory_space<hbm>>) target_semaphore(%dma_start3A_220 : memref<!tpu.dma_semaphore, #tpu.memory_space<semaphore_mem>>)
    %dma_wait3A_227 = arith.constant 0 : i32
    %dma_wait3A_228 = arith.constant 3 : i32
    %dma_wait3A_229 = arith.constant 3 : i32
    %dma_wait3A_230 = arith.constant 0 : i32
    %dma_wait3A_231 = arith.constant 0 : i32
    %dma_wait3A_232 = tpu.memref_slice %arg6[%dma_wait3A_228, %dma_wait3A_230, %dma_wait3A_231] : memref<8x128x64xf32, #tpu.memory_space<vmem>> -> memref<1x128x64xf32, #tpu.memory_space<vmem>>
    %dma_wait3A_233 = tpu.memref_squeeze %dma_wait3A_232 : memref<1x128x64xf32, #tpu.memory_space<vmem>> -> memref<128x64xf32, #tpu.memory_space<vmem>>
    %dma_wait3A_234 = arith.constant 0 : i32
    %dma_wait3A_235 = tpu.memref_slice %arg5[%dma_wait3A_227, %dma_wait3A_234] : memref<200x128xi32, #tpu.memory_space<vmem>> -> memref<1x128xi32, #tpu.memory_space<vmem>>
    %dma_wait3A_236 = tpu.memref_squeeze %dma_wait3A_235 : memref<1x128xi32, #tpu.memory_space<vmem>> -> memref<128xi32, #tpu.memory_space<vmem>>
    %dma_wait3A_237 = arith.constant 0 : i32
    %dma_wait3A_238 = arith.constant 0 : i32
    %dma_wait3A_239 = tpu.memref_slice %arg7[%dma_wait3A_237, %dma_wait3A_238] : memref<1000x64xf32, #tpu.memory_space<vmem_shared>> -> memref<1000x64xf32, #tpu.memory_space<vmem_shared>>
    %dma_wait3A_240 = tpu.memref_slice %arg8[%dma_wait3A_229] : memref<8x!tpu.dma_semaphore, #tpu.memory_space<semaphore_mem>> -> memref<1x!tpu.dma_semaphore, #tpu.memory_space<semaphore_mem>>
    %dma_wait3A_241 = tpu.memref_squeeze %dma_wait3A_240 : memref<1x!tpu.dma_semaphore, #tpu.memory_space<semaphore_mem>> -> memref<!tpu.dma_semaphore, #tpu.memory_space<semaphore_mem>>
    tpu.wait_indirect_dma semaphore(%dma_wait3A_241 : memref<!tpu.dma_semaphore, #tpu.memory_space<semaphore_mem>>) src(%dma_wait3A_239 : memref<1000x64xf32, #tpu.memory_space<vmem_shared>>) dst(%dma_wait3A_233 : memref<128x64xf32, #tpu.memory_space<vmem>>)
    %add3A_242 = arith.constant 24960 : i32
    %add3A_243 = arith.addi %mul3A_2, %add3A_242 : i32
    %dma_start3A_244 = arith.constant 3 : i32
    %dma_start3A_245 = arith.constant 3 : i32
    %dma_start3A_246 = arith.constant 0 : i32
    %dma_start3A_247 = arith.constant 0 : i32
    %dma_start3A_248 = tpu.memref_slice %arg6[%dma_start3A_244, %dma_start3A_246, %dma_start3A_247] : memref<8x128x64xf32, #tpu.memory_space<vmem>> -> memref<1x128x64xf32, #tpu.memory_space<vmem>>
    %dma_start3A_249 = tpu.memref_squeeze %dma_start3A_248 : memref<1x128x64xf32, #tpu.memory_space<vmem>> -> memref<128x64xf32, #tpu.memory_space<vmem>>
    %dma_start3A_250 = arith.constant 0 : i32
    %dma_start3A_251 = tpu.memref_slice %arg4[%add3A_243, %dma_start3A_250] : memref<819200x128xf32, #tpu.memory_space<hbm>> -> memref<128x64xf32, #tpu.memory_space<hbm>>
    %dma_start3A_252 = tpu.memref_slice %arg9[%dma_start3A_245] : memref<8x!tpu.dma_semaphore, #tpu.memory_space<semaphore_mem>> -> memref<1x!tpu.dma_semaphore, #tpu.memory_space<semaphore_mem>>
    %dma_start3A_253 = tpu.memref_squeeze %dma_start3A_252 : memref<1x!tpu.dma_semaphore, #tpu.memory_space<semaphore_mem>> -> memref<!tpu.dma_semaphore, #tpu.memory_space<semaphore_mem>>
    %dma_start3A_254 = arith.constant 0 : i32
    %dma_start3A_255 = tpu.memref_slice %arg4[%add3A_243, %dma_start3A_254] : memref<819200x128xf32, #tpu.memory_space<hbm>> -> memref<128x64xf32, #tpu.memory_space<hbm>>
    %dma_start3A_256 = arith.constant 0 : i32
    %dma_start3A_257 = arith.constant 0 : i32
    %dma_start3A_258 = tpu.memref_slice %arg6[%dma_start3A_244, %dma_start3A_256, %dma_start3A_257] : memref<8x128x64xf32, #tpu.memory_space<vmem>> -> memref<1x128x64xf32, #tpu.memory_space<vmem>>
    %dma_start3A_259 = tpu.memref_squeeze %dma_start3A_258 : memref<1x128x64xf32, #tpu.memory_space<vmem>> -> memref<128x64xf32, #tpu.memory_space<vmem>>
    tpu.enqueue_dma source(%dma_start3A_259 : memref<128x64xf32, #tpu.memory_space<vmem>>) target(%dma_start3A_255 : memref<128x64xf32, #tpu.memory_space<hbm>>) target_semaphore(%dma_start3A_253 : memref<!tpu.dma_semaphore, #tpu.memory_space<semaphore_mem>>)
    %dma_wait3A_260 = arith.constant 0 : i32
    %dma_wait3A_261 = arith.constant 4 : i32
    %dma_wait3A_262 = arith.constant 4 : i32
    %dma_wait3A_263 = arith.constant 0 : i32
    %dma_wait3A_264 = arith.constant 0 : i32
    %dma_wait3A_265 = tpu.memref_slice %arg6[%dma_wait3A_261, %dma_wait3A_263, %dma_wait3A_264] : memref<8x128x64xf32, #tpu.memory_space<vmem>> -> memref<1x128x64xf32, #tpu.memory_space<vmem>>
    %dma_wait3A_266 = tpu.memref_squeeze %dma_wait3A_265 : memref<1x128x64xf32, #tpu.memory_space<vmem>> -> memref<128x64xf32, #tpu.memory_space<vmem>>
    %dma_wait3A_267 = arith.constant 0 : i32
    %dma_wait3A_268 = tpu.memref_slice %arg5[%dma_wait3A_260, %dma_wait3A_267] : memref<200x128xi32, #tpu.memory_space<vmem>> -> memref<1x128xi32, #tpu.memory_space<vmem>>
    %dma_wait3A_269 = tpu.memref_squeeze %dma_wait3A_268 : memref<1x128xi32, #tpu.memory_space<vmem>> -> memref<128xi32, #tpu.memory_space<vmem>>
    %dma_wait3A_270 = arith.constant 0 : i32
    %dma_wait3A_271 = arith.constant 0 : i32
    %dma_wait3A_272 = tpu.memref_slice %arg7[%dma_wait3A_270, %dma_wait3A_271] : memref<1000x64xf32, #tpu.memory_space<vmem_shared>> -> memref<1000x64xf32, #tpu.memory_space<vmem_shared>>
    %dma_wait3A_273 = tpu.memref_slice %arg8[%dma_wait3A_262] : memref<8x!tpu.dma_semaphore, #tpu.memory_space<semaphore_mem>> -> memref<1x!tpu.dma_semaphore, #tpu.memory_space<semaphore_mem>>
    %dma_wait3A_274 = tpu.memref_squeeze %dma_wait3A_273 : memref<1x!tpu.dma_semaphore, #tpu.memory_space<semaphore_mem>> -> memref<!tpu.dma_semaphore, #tpu.memory_space<semaphore_mem>>
    tpu.wait_indirect_dma semaphore(%dma_wait3A_274 : memref<!tpu.dma_semaphore, #tpu.memory_space<semaphore_mem>>) src(%dma_wait3A_272 : memref<1000x64xf32, #tpu.memory_space<vmem_shared>>) dst(%dma_wait3A_266 : memref<128x64xf32, #tpu.memory_space<vmem>>)
    %add3A_275 = arith.constant 25088 : i32
    %add3A_276 = arith.addi %mul3A_2, %add3A_275 : i32
    %dma_start3A_277 = arith.constant 4 : i32
    %dma_start3A_278 = arith.constant 4 : i32
    %dma_start3A_279 = arith.constant 0 : i32
    %dma_start3A_280 = arith.constant 0 : i32
    %dma_start3A_281 = tpu.memref_slice %arg6[%dma_start3A_277, %dma_start3A_279, %dma_start3A_280] : memref<8x128x64xf32, #tpu.memory_space<vmem>> -> memref<1x128x64xf32, #tpu.memory_space<vmem>>
    %dma_start3A_282 = tpu.memref_squeeze %dma_start3A_281 : memref<1x128x64xf32, #tpu.memory_space<vmem>> -> memref<128x64xf32, #tpu.memory_space<vmem>>
    %dma_start3A_283 = arith.constant 0 : i32
    %dma_start3A_284 = tpu.memref_slice %arg4[%add3A_276, %dma_start3A_283] : memref<819200x128xf32, #tpu.memory_space<hbm>> -> memref<128x64xf32, #tpu.memory_space<hbm>>
    %dma_start3A_285 = tpu.memref_slice %arg9[%dma_start3A_278] : memref<8x!tpu.dma_semaphore, #tpu.memory_space<semaphore_mem>> -> memref<1x!tpu.dma_semaphore, #tpu.memory_space<semaphore_mem>>
    %dma_start3A_286 = tpu.memref_squeeze %dma_start3A_285 : memref<1x!tpu.dma_semaphore, #tpu.memory_space<semaphore_mem>> -> memref<!tpu.dma_semaphore, #tpu.memory_space<semaphore_mem>>
    %dma_start3A_287 = arith.constant 0 : i32
    %dma_start3A_288 = tpu.memref_slice %arg4[%add3A_276, %dma_start3A_287] : memref<819200x128xf32, #tpu.memory_space<hbm>> -> memref<128x64xf32, #tpu.memory_space<hbm>>
    %dma_start3A_289 = arith.constant 0 : i32
    %dma_start3A_290 = arith.constant 0 : i32
    %dma_start3A_291 = tpu.memref_slice %arg6[%dma_start3A_277, %dma_start3A_289, %dma_start3A_290] : memref<8x128x64xf32, #tpu.memory_space<vmem>> -> memref<1x128x64xf32, #tpu.memory_space<vmem>>
    %dma_start3A_292 = tpu.memref_squeeze %dma_start3A_291 : memref<1x128x64xf32, #tpu.memory_space<vmem>> -> memref<128x64xf32, #tpu.memory_space<vmem>>
    tpu.enqueue_dma source(%dma_start3A_292 : memref<128x64xf32, #tpu.memory_space<vmem>>) target(%dma_start3A_288 : memref<128x64xf32, #tpu.memory_space<hbm>>) target_semaphore(%dma_start3A_286 : memref<!tpu.dma_semaphore, #tpu.memory_space<semaphore_mem>>)
    %dma_wait3A_293 = arith.constant 0 : i32
    %dma_wait3A_294 = arith.constant 5 : i32
    %dma_wait3A_295 = arith.constant 5 : i32
    %dma_wait3A_296 = arith.constant 0 : i32
    %dma_wait3A_297 = arith.constant 0 : i32
    %dma_wait3A_298 = tpu.memref_slice %arg6[%dma_wait3A_294, %dma_wait3A_296, %dma_wait3A_297] : memref<8x128x64xf32, #tpu.memory_space<vmem>> -> memref<1x128x64xf32, #tpu.memory_space<vmem>>
    %dma_wait3A_299 = tpu.memref_squeeze %dma_wait3A_298 : memref<1x128x64xf32, #tpu.memory_space<vmem>> -> memref<128x64xf32, #tpu.memory_space<vmem>>
    %dma_wait3A_300 = arith.constant 0 : i32
    %dma_wait3A_301 = tpu.memref_slice %arg5[%dma_wait3A_293, %dma_wait3A_300] : memref<200x128xi32, #tpu.memory_space<vmem>> -> memref<1x128xi32, #tpu.memory_space<vmem>>
    %dma_wait3A_302 = tpu.memref_squeeze %dma_wait3A_301 : memref<1x128xi32, #tpu.memory_space<vmem>> -> memref<128xi32, #tpu.memory_space<vmem>>
    %dma_wait3A_303 = arith.constant 0 : i32
    %dma_wait3A_304 = arith.constant 0 : i32
    %dma_wait3A_305 = tpu.memref_slice %arg7[%dma_wait3A_303, %dma_wait3A_304] : memref<1000x64xf32, #tpu.memory_space<vmem_shared>> -> memref<1000x64xf32, #tpu.memory_space<vmem_shared>>
    %dma_wait3A_306 = tpu.memref_slice %arg8[%dma_wait3A_295] : memref<8x!tpu.dma_semaphore, #tpu.memory_space<semaphore_mem>> -> memref<1x!tpu.dma_semaphore, #tpu.memory_space<semaphore_mem>>
    %dma_wait3A_307 = tpu.memref_squeeze %dma_wait3A_306 : memref<1x!tpu.dma_semaphore, #tpu.memory_space<semaphore_mem>> -> memref<!tpu.dma_semaphore, #tpu.memory_space<semaphore_mem>>
    tpu.wait_indirect_dma semaphore(%dma_wait3A_307 : memref<!tpu.dma_semaphore, #tpu.memory_space<semaphore_mem>>) src(%dma_wait3A_305 : memref<1000x64xf32, #tpu.memory_space<vmem_shared>>) dst(%dma_wait3A_299 : memref<128x64xf32, #tpu.memory_space<vmem>>)
    %add3A_308 = arith.constant 25216 : i32
    %add3A_309 = arith.addi %mul3A_2, %add3A_308 : i32
    %dma_start3A_310 = arith.constant 5 : i32
    %dma_start3A_311 = arith.constant 5 : i32
    %dma_start3A_312 = arith.constant 0 : i32
    %dma_start3A_313 = arith.constant 0 : i32
    %dma_start3A_314 = tpu.memref_slice %arg6[%dma_start3A_310, %dma_start3A_312, %dma_start3A_313] : memref<8x128x64xf32, #tpu.memory_space<vmem>> -> memref<1x128x64xf32, #tpu.memory_space<vmem>>
    %dma_start3A_315 = tpu.memref_squeeze %dma_start3A_314 : memref<1x128x64xf32, #tpu.memory_space<vmem>> -> memref<128x64xf32, #tpu.memory_space<vmem>>
    %dma_start3A_316 = arith.constant 0 : i32
    %dma_start3A_317 = tpu.memref_slice %arg4[%add3A_309, %dma_start3A_316] : memref<819200x128xf32, #tpu.memory_space<hbm>> -> memref<128x64xf32, #tpu.memory_space<hbm>>
    %dma_start3A_318 = tpu.memref_slice %arg9[%dma_start3A_311] : memref<8x!tpu.dma_semaphore, #tpu.memory_space<semaphore_mem>> -> memref<1x!tpu.dma_semaphore, #tpu.memory_space<semaphore_mem>>
    %dma_start3A_319 = tpu.memref_squeeze %dma_start3A_318 : memref<1x!tpu.dma_semaphore, #tpu.memory_space<semaphore_mem>> -> memref<!tpu.dma_semaphore, #tpu.memory_space<semaphore_mem>>
    %dma_start3A_320 = arith.constant 0 : i32
    %dma_start3A_321 = tpu.memref_slice %arg4[%add3A_309, %dma_start3A_320] : memref<819200x128xf32, #tpu.memory_space<hbm>> -> memref<128x64xf32, #tpu.memory_space<hbm>>
    %dma_start3A_322 = arith.constant 0 : i32
    %dma_start3A_323 = arith.constant 0 : i32
    %dma_start3A_324 = tpu.memref_slice %arg6[%dma_start3A_310, %dma_start3A_322, %dma_start3A_323] : memref<8x128x64xf32, #tpu.memory_space<vmem>> -> memref<1x128x64xf32, #tpu.memory_space<vmem>>
    %dma_start3A_325 = tpu.memref_squeeze %dma_start3A_324 : memref<1x128x64xf32, #tpu.memory_space<vmem>> -> memref<128x64xf32, #tpu.memory_space<vmem>>
    tpu.enqueue_dma source(%dma_start3A_325 : memref<128x64xf32, #tpu.memory_space<vmem>>) target(%dma_start3A_321 : memref<128x64xf32, #tpu.memory_space<hbm>>) target_semaphore(%dma_start3A_319 : memref<!tpu.dma_semaphore, #tpu.memory_space<semaphore_mem>>)
    %dma_wait3A_326 = arith.constant 0 : i32
    %dma_wait3A_327 = arith.constant 6 : i32
    %dma_wait3A_328 = arith.constant 6 : i32
    %dma_wait3A_329 = arith.constant 0 : i32
    %dma_wait3A_330 = arith.constant 0 : i32
    %dma_wait3A_331 = tpu.memref_slice %arg6[%dma_wait3A_327, %dma_wait3A_329, %dma_wait3A_330] : memref<8x128x64xf32, #tpu.memory_space<vmem>> -> memref<1x128x64xf32, #tpu.memory_space<vmem>>
    %dma_wait3A_332 = tpu.memref_squeeze %dma_wait3A_331 : memref<1x128x64xf32, #tpu.memory_space<vmem>> -> memref<128x64xf32, #tpu.memory_space<vmem>>
    %dma_wait3A_333 = arith.constant 0 : i32
    %dma_wait3A_334 = tpu.memref_slice %arg5[%dma_wait3A_326, %dma_wait3A_333] : memref<200x128xi32, #tpu.memory_space<vmem>> -> memref<1x128xi32, #tpu.memory_space<vmem>>
    %dma_wait3A_335 = tpu.memref_squeeze %dma_wait3A_334 : memref<1x128xi32, #tpu.memory_space<vmem>> -> memref<128xi32, #tpu.memory_space<vmem>>
    %dma_wait3A_336 = arith.constant 0 : i32
    %dma_wait3A_337 = arith.constant 0 : i32
    %dma_wait3A_338 = tpu.memref_slice %arg7[%dma_wait3A_336, %dma_wait3A_337] : memref<1000x64xf32, #tpu.memory_space<vmem_shared>> -> memref<1000x64xf32, #tpu.memory_space<vmem_shared>>
    %dma_wait3A_339 = tpu.memref_slice %arg8[%dma_wait3A_328] : memref<8x!tpu.dma_semaphore, #tpu.memory_space<semaphore_mem>> -> memref<1x!tpu.dma_semaphore, #tpu.memory_space<semaphore_mem>>
    %dma_wait3A_340 = tpu.memref_squeeze %dma_wait3A_339 : memref<1x!tpu.dma_semaphore, #tpu.memory_space<semaphore_mem>> -> memref<!tpu.dma_semaphore, #tpu.memory_space<semaphore_mem>>
    tpu.wait_indirect_dma semaphore(%dma_wait3A_340 : memref<!tpu.dma_semaphore, #tpu.memory_space<semaphore_mem>>) src(%dma_wait3A_338 : memref<1000x64xf32, #tpu.memory_space<vmem_shared>>) dst(%dma_wait3A_332 : memref<128x64xf32, #tpu.memory_space<vmem>>)
    %add3A_341 = arith.constant 25344 : i32
    %add3A_342 = arith.addi %mul3A_2, %add3A_341 : i32
    %dma_start3A_343 = arith.constant 6 : i32
    %dma_start3A_344 = arith.constant 6 : i32
    %dma_start3A_345 = arith.constant 0 : i32
    %dma_start3A_346 = arith.constant 0 : i32
    %dma_start3A_347 = tpu.memref_slice %arg6[%dma_start3A_343, %dma_start3A_345, %dma_start3A_346] : memref<8x128x64xf32, #tpu.memory_space<vmem>> -> memref<1x128x64xf32, #tpu.memory_space<vmem>>
    %dma_start3A_348 = tpu.memref_squeeze %dma_start3A_347 : memref<1x128x64xf32, #tpu.memory_space<vmem>> -> memref<128x64xf32, #tpu.memory_space<vmem>>
    %dma_start3A_349 = arith.constant 0 : i32
    %dma_start3A_350 = tpu.memref_slice %arg4[%add3A_342, %dma_start3A_349] : memref<819200x128xf32, #tpu.memory_space<hbm>> -> memref<128x64xf32, #tpu.memory_space<hbm>>
    %dma_start3A_351 = tpu.memref_slice %arg9[%dma_start3A_344] : memref<8x!tpu.dma_semaphore, #tpu.memory_space<semaphore_mem>> -> memref<1x!tpu.dma_semaphore, #tpu.memory_space<semaphore_mem>>
    %dma_start3A_352 = tpu.memref_squeeze %dma_start3A_351 : memref<1x!tpu.dma_semaphore, #tpu.memory_space<semaphore_mem>> -> memref<!tpu.dma_semaphore, #tpu.memory_space<semaphore_mem>>
    %dma_start3A_353 = arith.constant 0 : i32
    %dma_start3A_354 = tpu.memref_slice %arg4[%add3A_342, %dma_start3A_353] : memref<819200x128xf32, #tpu.memory_space<hbm>> -> memref<128x64xf32, #tpu.memory_space<hbm>>
    %dma_start3A_355 = arith.constant 0 : i32
    %dma_start3A_356 = arith.constant 0 : i32
    %dma_start3A_357 = tpu.memref_slice %arg6[%dma_start3A_343, %dma_start3A_355, %dma_start3A_356] : memref<8x128x64xf32, #tpu.memory_space<vmem>> -> memref<1x128x64xf32, #tpu.memory_space<vmem>>
    %dma_start3A_358 = tpu.memref_squeeze %dma_start3A_357 : memref<1x128x64xf32, #tpu.memory_space<vmem>> -> memref<128x64xf32, #tpu.memory_space<vmem>>
    tpu.enqueue_dma source(%dma_start3A_358 : memref<128x64xf32, #tpu.memory_space<vmem>>) target(%dma_start3A_354 : memref<128x64xf32, #tpu.memory_space<hbm>>) target_semaphore(%dma_start3A_352 : memref<!tpu.dma_semaphore, #tpu.memory_space<semaphore_mem>>)
    %dma_wait3A_359 = arith.constant 0 : i32
    %dma_wait3A_360 = arith.constant 7 : i32
    %dma_wait3A_361 = arith.constant 7 : i32
    %dma_wait3A_362 = arith.constant 0 : i32
    %dma_wait3A_363 = arith.constant 0 : i32
    %dma_wait3A_364 = tpu.memref_slice %arg6[%dma_wait3A_360, %dma_wait3A_362, %dma_wait3A_363] : memref<8x128x64xf32, #tpu.memory_space<vmem>> -> memref<1x128x64xf32, #tpu.memory_space<vmem>>
    %dma_wait3A_365 = tpu.memref_squeeze %dma_wait3A_364 : memref<1x128x64xf32, #tpu.memory_space<vmem>> -> memref<128x64xf32, #tpu.memory_space<vmem>>
    %dma_wait3A_366 = arith.constant 0 : i32
    %dma_wait3A_367 = tpu.memref_slice %arg5[%dma_wait3A_359, %dma_wait3A_366] : memref<200x128xi32, #tpu.memory_space<vmem>> -> memref<1x128xi32, #tpu.memory_space<vmem>>
    %dma_wait3A_368 = tpu.memref_squeeze %dma_wait3A_367 : memref<1x128xi32, #tpu.memory_space<vmem>> -> memref<128xi32, #tpu.memory_space<vmem>>
    %dma_wait3A_369 = arith.constant 0 : i32
    %dma_wait3A_370 = arith.constant 0 : i32
    %dma_wait3A_371 = tpu.memref_slice %arg7[%dma_wait3A_369, %dma_wait3A_370] : memref<1000x64xf32, #tpu.memory_space<vmem_shared>> -> memref<1000x64xf32, #tpu.memory_space<vmem_shared>>
    %dma_wait3A_372 = tpu.memref_slice %arg8[%dma_wait3A_361] : memref<8x!tpu.dma_semaphore, #tpu.memory_space<semaphore_mem>> -> memref<1x!tpu.dma_semaphore, #tpu.memory_space<semaphore_mem>>
    %dma_wait3A_373 = tpu.memref_squeeze %dma_wait3A_372 : memref<1x!tpu.dma_semaphore, #tpu.memory_space<semaphore_mem>> -> memref<!tpu.dma_semaphore, #tpu.memory_space<semaphore_mem>>
    tpu.wait_indirect_dma semaphore(%dma_wait3A_373 : memref<!tpu.dma_semaphore, #tpu.memory_space<semaphore_mem>>) src(%dma_wait3A_371 : memref<1000x64xf32, #tpu.memory_space<vmem_shared>>) dst(%dma_wait3A_365 : memref<128x64xf32, #tpu.memory_space<vmem>>)
    %add3A_374 = arith.constant 25472 : i32
    %add3A_375 = arith.addi %mul3A_2, %add3A_374 : i32
    %dma_start3A_376 = arith.constant 7 : i32
    %dma_start3A_377 = arith.constant 7 : i32
    %dma_start3A_378 = arith.constant 0 : i32
    %dma_start3A_379 = arith.constant 0 : i32
    %dma_start3A_380 = tpu.memref_slice %arg6[%dma_start3A_376, %dma_start3A_378, %dma_start3A_379] : memref<8x128x64xf32, #tpu.memory_space<vmem>> -> memref<1x128x64xf32, #tpu.memory_space<vmem>>
    %dma_start3A_381 = tpu.memref_squeeze %dma_start3A_380 : memref<1x128x64xf32, #tpu.memory_space<vmem>> -> memref<128x64xf32, #tpu.memory_space<vmem>>
    %dma_start3A_382 = arith.constant 0 : i32
    %dma_start3A_383 = tpu.memref_slice %arg4[%add3A_375, %dma_start3A_382] : memref<819200x128xf32, #tpu.memory_space<hbm>> -> memref<128x64xf32, #tpu.memory_space<hbm>>
    %dma_start3A_384 = tpu.memref_slice %arg9[%dma_start3A_377] : memref<8x!tpu.dma_semaphore, #tpu.memory_space<semaphore_mem>> -> memref<1x!tpu.dma_semaphore, #tpu.memory_space<semaphore_mem>>
    %dma_start3A_385 = tpu.memref_squeeze %dma_start3A_384 : memref<1x!tpu.dma_semaphore, #tpu.memory_space<semaphore_mem>> -> memref<!tpu.dma_semaphore, #tpu.memory_space<semaphore_mem>>
    %dma_start3A_386 = arith.constant 0 : i32
    %dma_start3A_387 = tpu.memref_slice %arg4[%add3A_375, %dma_start3A_386] : memref<819200x128xf32, #tpu.memory_space<hbm>> -> memref<128x64xf32, #tpu.memory_space<hbm>>
    %dma_start3A_388 = arith.constant 0 : i32
    %dma_start3A_389 = arith.constant 0 : i32
    %dma_start3A_390 = tpu.memref_slice %arg6[%dma_start3A_376, %dma_start3A_388, %dma_start3A_389] : memref<8x128x64xf32, #tpu.memory_space<vmem>> -> memref<1x128x64xf32, #tpu.memory_space<vmem>>
    %dma_start3A_391 = tpu.memref_squeeze %dma_start3A_390 : memref<1x128x64xf32, #tpu.memory_space<vmem>> -> memref<128x64xf32, #tpu.memory_space<vmem>>
    tpu.enqueue_dma source(%dma_start3A_391 : memref<128x64xf32, #tpu.memory_space<vmem>>) target(%dma_start3A_387 : memref<128x64xf32, #tpu.memory_space<hbm>>) target_semaphore(%dma_start3A_385 : memref<!tpu.dma_semaphore, #tpu.memory_space<semaphore_mem>>)
    %dma_wait3A_392 = arith.constant 0 : i32
    %dma_wait3A_393 = arith.constant 0 : i32
    %dma_wait3A_394 = arith.constant 0 : i32
    %dma_wait3A_395 = arith.constant 0 : i32
    %dma_wait3A_396 = tpu.memref_slice %arg6[%dma_wait3A_392, %dma_wait3A_394, %dma_wait3A_395] : memref<8x128x64xf32, #tpu.memory_space<vmem>> -> memref<1x128x64xf32, #tpu.memory_space<vmem>>
    %dma_wait3A_397 = tpu.memref_squeeze %dma_wait3A_396 : memref<1x128x64xf32, #tpu.memory_space<vmem>> -> memref<128x64xf32, #tpu.memory_space<vmem>>
    %dma_wait3A_398 = arith.constant 0 : i32
    %dma_wait3A_399 = tpu.memref_slice %arg4[%mul3A_2, %dma_wait3A_398] : memref<819200x128xf32, #tpu.memory_space<hbm>> -> memref<128x64xf32, #tpu.memory_space<hbm>>
    %dma_wait3A_400 = tpu.memref_slice %arg9[%dma_wait3A_393] : memref<8x!tpu.dma_semaphore, #tpu.memory_space<semaphore_mem>> -> memref<1x!tpu.dma_semaphore, #tpu.memory_space<semaphore_mem>>
    %dma_wait3A_401 = tpu.memref_squeeze %dma_wait3A_400 : memref<1x!tpu.dma_semaphore, #tpu.memory_space<semaphore_mem>> -> memref<!tpu.dma_semaphore, #tpu.memory_space<semaphore_mem>>
    %dma_wait3A_402 = arith.constant 0 : i32
    %dma_wait3A_403 = arith.constant 0 : i32
    %dma_wait3A_404 = tpu.memref_slice %arg6[%dma_wait3A_392, %dma_wait3A_402, %dma_wait3A_403] : memref<8x128x64xf32, #tpu.memory_space<vmem>> -> memref<1x128x64xf32, #tpu.memory_space<vmem>>
    %dma_wait3A_405 = tpu.memref_squeeze %dma_wait3A_404 : memref<1x128x64xf32, #tpu.memory_space<vmem>> -> memref<128x64xf32, #tpu.memory_space<vmem>>
    %dma_wait3A_406 = arith.constant 0 : i32
    %dma_wait3A_407 = tpu.memref_slice %arg4[%mul3A_2, %dma_wait3A_406] : memref<819200x128xf32, #tpu.memory_space<hbm>> -> memref<128x64xf32, #tpu.memory_space<hbm>>
    tpu.wait_dma2 semaphore(%dma_wait3A_401 : memref<!tpu.dma_semaphore, #tpu.memory_space<semaphore_mem>>) src(%dma_wait3A_407 : memref<128x64xf32, #tpu.memory_space<hbm>>) dst(%dma_wait3A_405 : memref<128x64xf32, #tpu.memory_space<vmem>>)
    %dma_wait3A_408 = arith.constant 1 : i32
    %dma_wait3A_409 = arith.constant 1 : i32
    %dma_wait3A_410 = arith.constant 0 : i32
    %dma_wait3A_411 = arith.constant 0 : i32
    %dma_wait3A_412 = tpu.memref_slice %arg6[%dma_wait3A_408, %dma_wait3A_410, %dma_wait3A_411] : memref<8x128x64xf32, #tpu.memory_space<vmem>> -> memref<1x128x64xf32, #tpu.memory_space<vmem>>
    %dma_wait3A_413 = tpu.memref_squeeze %dma_wait3A_412 : memref<1x128x64xf32, #tpu.memory_space<vmem>> -> memref<128x64xf32, #tpu.memory_space<vmem>>
    %dma_wait3A_414 = arith.constant 0 : i32
    %dma_wait3A_415 = tpu.memref_slice %arg4[%mul3A_2, %dma_wait3A_414] : memref<819200x128xf32, #tpu.memory_space<hbm>> -> memref<128x64xf32, #tpu.memory_space<hbm>>
    %dma_wait3A_416 = tpu.memref_slice %arg9[%dma_wait3A_409] : memref<8x!tpu.dma_semaphore, #tpu.memory_space<semaphore_mem>> -> memref<1x!tpu.dma_semaphore, #tpu.memory_space<semaphore_mem>>
    %dma_wait3A_417 = tpu.memref_squeeze %dma_wait3A_416 : memref<1x!tpu.dma_semaphore, #tpu.memory_space<semaphore_mem>> -> memref<!tpu.dma_semaphore, #tpu.memory_space<semaphore_mem>>
    %dma_wait3A_418 = arith.constant 0 : i32
    %dma_wait3A_419 = arith.constant 0 : i32
    %dma_wait3A_420 = tpu.memref_slice %arg6[%dma_wait3A_408, %dma_wait3A_418, %dma_wait3A_419] : memref<8x128x64xf32, #tpu.memory_space<vmem>> -> memref<1x128x64xf32, #tpu.memory_space<vmem>>
    %dma_wait3A_421 = tpu.memref_squeeze %dma_wait3A_420 : memref<1x128x64xf32, #tpu.memory_space<vmem>> -> memref<128x64xf32, #tpu.memory_space<vmem>>
    %dma_wait3A_422 = arith.constant 0 : i32
    %dma_wait3A_423 = tpu.memref_slice %arg4[%mul3A_2, %dma_wait3A_422] : memref<819200x128xf32, #tpu.memory_space<hbm>> -> memref<128x64xf32, #tpu.memory_space<hbm>>
    tpu.wait_dma2 semaphore(%dma_wait3A_417 : memref<!tpu.dma_semaphore, #tpu.memory_space<semaphore_mem>>) src(%dma_wait3A_423 : memref<128x64xf32, #tpu.memory_space<hbm>>) dst(%dma_wait3A_421 : memref<128x64xf32, #tpu.memory_space<vmem>>)
    %dma_wait3A_424 = arith.constant 2 : i32
    %dma_wait3A_425 = arith.constant 2 : i32
    %dma_wait3A_426 = arith.constant 0 : i32
    %dma_wait3A_427 = arith.constant 0 : i32
    %dma_wait3A_428 = tpu.memref_slice %arg6[%dma_wait3A_424, %dma_wait3A_426, %dma_wait3A_427] : memref<8x128x64xf32, #tpu.memory_space<vmem>> -> memref<1x128x64xf32, #tpu.memory_space<vmem>>
    %dma_wait3A_429 = tpu.memref_squeeze %dma_wait3A_428 : memref<1x128x64xf32, #tpu.memory_space<vmem>> -> memref<128x64xf32, #tpu.memory_space<vmem>>
    %dma_wait3A_430 = arith.constant 0 : i32
    %dma_wait3A_431 = tpu.memref_slice %arg4[%mul3A_2, %dma_wait3A_430] : memref<819200x128xf32, #tpu.memory_space<hbm>> -> memref<128x64xf32, #tpu.memory_space<hbm>>
    %dma_wait3A_432 = tpu.memref_slice %arg9[%dma_wait3A_425] : memref<8x!tpu.dma_semaphore, #tpu.memory_space<semaphore_mem>> -> memref<1x!tpu.dma_semaphore, #tpu.memory_space<semaphore_mem>>
    %dma_wait3A_433 = tpu.memref_squeeze %dma_wait3A_432 : memref<1x!tpu.dma_semaphore, #tpu.memory_space<semaphore_mem>> -> memref<!tpu.dma_semaphore, #tpu.memory_space<semaphore_mem>>
    %dma_wait3A_434 = arith.constant 0 : i32
    %dma_wait3A_435 = arith.constant 0 : i32
    %dma_wait3A_436 = tpu.memref_slice %arg6[%dma_wait3A_424, %dma_wait3A_434, %dma_wait3A_435] : memref<8x128x64xf32, #tpu.memory_space<vmem>> -> memref<1x128x64xf32, #tpu.memory_space<vmem>>
    %dma_wait3A_437 = tpu.memref_squeeze %dma_wait3A_436 : memref<1x128x64xf32, #tpu.memory_space<vmem>> -> memref<128x64xf32, #tpu.memory_space<vmem>>
    %dma_wait3A_438 = arith.constant 0 : i32
    %dma_wait3A_439 = tpu.memref_slice %arg4[%mul3A_2, %dma_wait3A_438] : memref<819200x128xf32, #tpu.memory_space<hbm>> -> memref<128x64xf32, #tpu.memory_space<hbm>>
    tpu.wait_dma2 semaphore(%dma_wait3A_433 : memref<!tpu.dma_semaphore, #tpu.memory_space<semaphore_mem>>) src(%dma_wait3A_439 : memref<128x64xf32, #tpu.memory_space<hbm>>) dst(%dma_wait3A_437 : memref<128x64xf32, #tpu.memory_space<vmem>>)
    %dma_wait3A_440 = arith.constant 3 : i32
    %dma_wait3A_441 = arith.constant 3 : i32
    %dma_wait3A_442 = arith.constant 0 : i32
    %dma_wait3A_443 = arith.constant 0 : i32
    %dma_wait3A_444 = tpu.memref_slice %arg6[%dma_wait3A_440, %dma_wait3A_442, %dma_wait3A_443] : memref<8x128x64xf32, #tpu.memory_space<vmem>> -> memref<1x128x64xf32, #tpu.memory_space<vmem>>
    %dma_wait3A_445 = tpu.memref_squeeze %dma_wait3A_444 : memref<1x128x64xf32, #tpu.memory_space<vmem>> -> memref<128x64xf32, #tpu.memory_space<vmem>>
    %dma_wait3A_446 = arith.constant 0 : i32
    %dma_wait3A_447 = tpu.memref_slice %arg4[%mul3A_2, %dma_wait3A_446] : memref<819200x128xf32, #tpu.memory_space<hbm>> -> memref<128x64xf32, #tpu.memory_space<hbm>>
    %dma_wait3A_448 = tpu.memref_slice %arg9[%dma_wait3A_441] : memref<8x!tpu.dma_semaphore, #tpu.memory_space<semaphore_mem>> -> memref<1x!tpu.dma_semaphore, #tpu.memory_space<semaphore_mem>>
    %dma_wait3A_449 = tpu.memref_squeeze %dma_wait3A_448 : memref<1x!tpu.dma_semaphore, #tpu.memory_space<semaphore_mem>> -> memref<!tpu.dma_semaphore, #tpu.memory_space<semaphore_mem>>
    %dma_wait3A_450 = arith.constant 0 : i32
    %dma_wait3A_451 = arith.constant 0 : i32
    %dma_wait3A_452 = tpu.memref_slice %arg6[%dma_wait3A_440, %dma_wait3A_450, %dma_wait3A_451] : memref<8x128x64xf32, #tpu.memory_space<vmem>> -> memref<1x128x64xf32, #tpu.memory_space<vmem>>
    %dma_wait3A_453 = tpu.memref_squeeze %dma_wait3A_452 : memref<1x128x64xf32, #tpu.memory_space<vmem>> -> memref<128x64xf32, #tpu.memory_space<vmem>>
    %dma_wait3A_454 = arith.constant 0 : i32
    %dma_wait3A_455 = tpu.memref_slice %arg4[%mul3A_2, %dma_wait3A_454] : memref<819200x128xf32, #tpu.memory_space<hbm>> -> memref<128x64xf32, #tpu.memory_space<hbm>>
    tpu.wait_dma2 semaphore(%dma_wait3A_449 : memref<!tpu.dma_semaphore, #tpu.memory_space<semaphore_mem>>) src(%dma_wait3A_455 : memref<128x64xf32, #tpu.memory_space<hbm>>) dst(%dma_wait3A_453 : memref<128x64xf32, #tpu.memory_space<vmem>>)
    %dma_wait3A_456 = arith.constant 4 : i32
    %dma_wait3A_457 = arith.constant 4 : i32
    %dma_wait3A_458 = arith.constant 0 : i32
    %dma_wait3A_459 = arith.constant 0 : i32
    %dma_wait3A_460 = tpu.memref_slice %arg6[%dma_wait3A_456, %dma_wait3A_458, %dma_wait3A_459] : memref<8x128x64xf32, #tpu.memory_space<vmem>> -> memref<1x128x64xf32, #tpu.memory_space<vmem>>
    %dma_wait3A_461 = tpu.memref_squeeze %dma_wait3A_460 : memref<1x128x64xf32, #tpu.memory_space<vmem>> -> memref<128x64xf32, #tpu.memory_space<vmem>>
    %dma_wait3A_462 = arith.constant 0 : i32
    %dma_wait3A_463 = tpu.memref_slice %arg4[%mul3A_2, %dma_wait3A_462] : memref<819200x128xf32, #tpu.memory_space<hbm>> -> memref<128x64xf32, #tpu.memory_space<hbm>>
    %dma_wait3A_464 = tpu.memref_slice %arg9[%dma_wait3A_457] : memref<8x!tpu.dma_semaphore, #tpu.memory_space<semaphore_mem>> -> memref<1x!tpu.dma_semaphore, #tpu.memory_space<semaphore_mem>>
    %dma_wait3A_465 = tpu.memref_squeeze %dma_wait3A_464 : memref<1x!tpu.dma_semaphore, #tpu.memory_space<semaphore_mem>> -> memref<!tpu.dma_semaphore, #tpu.memory_space<semaphore_mem>>
    %dma_wait3A_466 = arith.constant 0 : i32
    %dma_wait3A_467 = arith.constant 0 : i32
    %dma_wait3A_468 = tpu.memref_slice %arg6[%dma_wait3A_456, %dma_wait3A_466, %dma_wait3A_467] : memref<8x128x64xf32, #tpu.memory_space<vmem>> -> memref<1x128x64xf32, #tpu.memory_space<vmem>>
    %dma_wait3A_469 = tpu.memref_squeeze %dma_wait3A_468 : memref<1x128x64xf32, #tpu.memory_space<vmem>> -> memref<128x64xf32, #tpu.memory_space<vmem>>
    %dma_wait3A_470 = arith.constant 0 : i32
    %dma_wait3A_471 = tpu.memref_slice %arg4[%mul3A_2, %dma_wait3A_470] : memref<819200x128xf32, #tpu.memory_space<hbm>> -> memref<128x64xf32, #tpu.memory_space<hbm>>
    tpu.wait_dma2 semaphore(%dma_wait3A_465 : memref<!tpu.dma_semaphore, #tpu.memory_space<semaphore_mem>>) src(%dma_wait3A_471 : memref<128x64xf32, #tpu.memory_space<hbm>>) dst(%dma_wait3A_469 : memref<128x64xf32, #tpu.memory_space<vmem>>)
    %dma_wait3A_472 = arith.constant 5 : i32
    %dma_wait3A_473 = arith.constant 5 : i32
    %dma_wait3A_474 = arith.constant 0 : i32
    %dma_wait3A_475 = arith.constant 0 : i32
    %dma_wait3A_476 = tpu.memref_slice %arg6[%dma_wait3A_472, %dma_wait3A_474, %dma_wait3A_475] : memref<8x128x64xf32, #tpu.memory_space<vmem>> -> memref<1x128x64xf32, #tpu.memory_space<vmem>>
    %dma_wait3A_477 = tpu.memref_squeeze %dma_wait3A_476 : memref<1x128x64xf32, #tpu.memory_space<vmem>> -> memref<128x64xf32, #tpu.memory_space<vmem>>
    %dma_wait3A_478 = arith.constant 0 : i32
    %dma_wait3A_479 = tpu.memref_slice %arg4[%mul3A_2, %dma_wait3A_478] : memref<819200x128xf32, #tpu.memory_space<hbm>> -> memref<128x64xf32, #tpu.memory_space<hbm>>
    %dma_wait3A_480 = tpu.memref_slice %arg9[%dma_wait3A_473] : memref<8x!tpu.dma_semaphore, #tpu.memory_space<semaphore_mem>> -> memref<1x!tpu.dma_semaphore, #tpu.memory_space<semaphore_mem>>
    %dma_wait3A_481 = tpu.memref_squeeze %dma_wait3A_480 : memref<1x!tpu.dma_semaphore, #tpu.memory_space<semaphore_mem>> -> memref<!tpu.dma_semaphore, #tpu.memory_space<semaphore_mem>>
    %dma_wait3A_482 = arith.constant 0 : i32
    %dma_wait3A_483 = arith.constant 0 : i32
    %dma_wait3A_484 = tpu.memref_slice %arg6[%dma_wait3A_472, %dma_wait3A_482, %dma_wait3A_483] : memref<8x128x64xf32, #tpu.memory_space<vmem>> -> memref<1x128x64xf32, #tpu.memory_space<vmem>>
    %dma_wait3A_485 = tpu.memref_squeeze %dma_wait3A_484 : memref<1x128x64xf32, #tpu.memory_space<vmem>> -> memref<128x64xf32, #tpu.memory_space<vmem>>
    %dma_wait3A_486 = arith.constant 0 : i32
    %dma_wait3A_487 = tpu.memref_slice %arg4[%mul3A_2, %dma_wait3A_486] : memref<819200x128xf32, #tpu.memory_space<hbm>> -> memref<128x64xf32, #tpu.memory_space<hbm>>
    tpu.wait_dma2 semaphore(%dma_wait3A_481 : memref<!tpu.dma_semaphore, #tpu.memory_space<semaphore_mem>>) src(%dma_wait3A_487 : memref<128x64xf32, #tpu.memory_space<hbm>>) dst(%dma_wait3A_485 : memref<128x64xf32, #tpu.memory_space<vmem>>)
    %dma_wait3A_488 = arith.constant 6 : i32
    %dma_wait3A_489 = arith.constant 6 : i32
    %dma_wait3A_490 = arith.constant 0 : i32
    %dma_wait3A_491 = arith.constant 0 : i32
    %dma_wait3A_492 = tpu.memref_slice %arg6[%dma_wait3A_488, %dma_wait3A_490, %dma_wait3A_491] : memref<8x128x64xf32, #tpu.memory_space<vmem>> -> memref<1x128x64xf32, #tpu.memory_space<vmem>>
    %dma_wait3A_493 = tpu.memref_squeeze %dma_wait3A_492 : memref<1x128x64xf32, #tpu.memory_space<vmem>> -> memref<128x64xf32, #tpu.memory_space<vmem>>
    %dma_wait3A_494 = arith.constant 0 : i32
    %dma_wait3A_495 = tpu.memref_slice %arg4[%mul3A_2, %dma_wait3A_494] : memref<819200x128xf32, #tpu.memory_space<hbm>> -> memref<128x64xf32, #tpu.memory_space<hbm>>
    %dma_wait3A_496 = tpu.memref_slice %arg9[%dma_wait3A_489] : memref<8x!tpu.dma_semaphore, #tpu.memory_space<semaphore_mem>> -> memref<1x!tpu.dma_semaphore, #tpu.memory_space<semaphore_mem>>
    %dma_wait3A_497 = tpu.memref_squeeze %dma_wait3A_496 : memref<1x!tpu.dma_semaphore, #tpu.memory_space<semaphore_mem>> -> memref<!tpu.dma_semaphore, #tpu.memory_space<semaphore_mem>>
    %dma_wait3A_498 = arith.constant 0 : i32
    %dma_wait3A_499 = arith.constant 0 : i32
    %dma_wait3A_500 = tpu.memref_slice %arg6[%dma_wait3A_488, %dma_wait3A_498, %dma_wait3A_499] : memref<8x128x64xf32, #tpu.memory_space<vmem>> -> memref<1x128x64xf32, #tpu.memory_space<vmem>>
    %dma_wait3A_501 = tpu.memref_squeeze %dma_wait3A_500 : memref<1x128x64xf32, #tpu.memory_space<vmem>> -> memref<128x64xf32, #tpu.memory_space<vmem>>
    %dma_wait3A_502 = arith.constant 0 : i32
    %dma_wait3A_503 = tpu.memref_slice %arg4[%mul3A_2, %dma_wait3A_502] : memref<819200x128xf32, #tpu.memory_space<hbm>> -> memref<128x64xf32, #tpu.memory_space<hbm>>
    tpu.wait_dma2 semaphore(%dma_wait3A_497 : memref<!tpu.dma_semaphore, #tpu.memory_space<semaphore_mem>>) src(%dma_wait3A_503 : memref<128x64xf32, #tpu.memory_space<hbm>>) dst(%dma_wait3A_501 : memref<128x64xf32, #tpu.memory_space<vmem>>)
    %dma_wait3A_504 = arith.constant 7 : i32
    %dma_wait3A_505 = arith.constant 7 : i32
    %dma_wait3A_506 = arith.constant 0 : i32
    %dma_wait3A_507 = arith.constant 0 : i32
    %dma_wait3A_508 = tpu.memref_slice %arg6[%dma_wait3A_504, %dma_wait3A_506, %dma_wait3A_507] : memref<8x128x64xf32, #tpu.memory_space<vmem>> -> memref<1x128x64xf32, #tpu.memory_space<vmem>>
    %dma_wait3A_509 = tpu.memref_squeeze %dma_wait3A_508 : memref<1x128x64xf32, #tpu.memory_space<vmem>> -> memref<128x64xf32, #tpu.memory_space<vmem>>
    %dma_wait3A_510 = arith.constant 0 : i32
    %dma_wait3A_511 = tpu.memref_slice %arg4[%mul3A_2, %dma_wait3A_510] : memref<819200x128xf32, #tpu.memory_space<hbm>> -> memref<128x64xf32, #tpu.memory_space<hbm>>
    %dma_wait3A_512 = tpu.memref_slice %arg9[%dma_wait3A_505] : memref<8x!tpu.dma_semaphore, #tpu.memory_space<semaphore_mem>> -> memref<1x!tpu.dma_semaphore, #tpu.memory_space<semaphore_mem>>
    %dma_wait3A_513 = tpu.memref_squeeze %dma_wait3A_512 : memref<1x!tpu.dma_semaphore, #tpu.memory_space<semaphore_mem>> -> memref<!tpu.dma_semaphore, #tpu.memory_space<semaphore_mem>>
    %dma_wait3A_514 = arith.constant 0 : i32
    %dma_wait3A_515 = arith.constant 0 : i32
    %dma_wait3A_516 = tpu.memref_slice %arg6[%dma_wait3A_504, %dma_wait3A_514, %dma_wait3A_515] : memref<8x128x64xf32, #tpu.memory_space<vmem>> -> memref<1x128x64xf32, #tpu.memory_space<vmem>>
    %dma_wait3A_517 = tpu.memref_squeeze %dma_wait3A_516 : memref<1x128x64xf32, #tpu.memory_space<vmem>> -> memref<128x64xf32, #tpu.memory_space<vmem>>
    %dma_wait3A_518 = arith.constant 0 : i32
    %dma_wait3A_519 = tpu.memref_slice %arg4[%mul3A_2, %dma_wait3A_518] : memref<819200x128xf32, #tpu.memory_space<hbm>> -> memref<128x64xf32, #tpu.memory_space<hbm>>
    tpu.wait_dma2 semaphore(%dma_wait3A_513 : memref<!tpu.dma_semaphore, #tpu.memory_space<semaphore_mem>>) src(%dma_wait3A_519 : memref<128x64xf32, #tpu.memory_space<hbm>>) dst(%dma_wait3A_517 : memref<128x64xf32, #tpu.memory_space<vmem>>)
    return
  }
}

</mosaic_0001>

<sc_bundles>
// kernel: kernel.3.cloned.1.call-start
scs
__scs_entry_jumppad:
0x0: {  	(pc) =	sbr.rel $0x88, $3  }
0x1: {  	(tag) =	ssettag $0x0;
	lr =	simm.s32 $0x1  }
0x2: {  	[smem:$0x3F9F] =	sst lr;
	_ =	strace $0xD0000000  }
0x3: {  	_ = 	snop  }
0x4: {  	_ = 	snop  }
0x5: {  	_ = 	snop  }
0x6: {  	_ = 	snop  }
0x7: {  	_ = 	snop  }
__scs_overlays_trampoline_lowered:
0x8: {  	[smem:$0x3FAE] =	sst s0  }
0x9: {  	[smem:$0x3FAF] =	sst s1  }
0xa: {  	[smem:$0x3FB0] =	sst s2  }
0xb: {  	[smem:$0x3FB1] =	sst s3  }
0xc: {  	[smem:$0x3FB2] =	sst s4  }
0xd: {  	[smem:$0x3FB3] =	sst s5  }
0xe: {  	[smem:$0x3FB4] =	sst s6  }
0xf: {  	[smem:$0x3FB5] =	sst s7  }
0x10: {  	[smem:$0x3FB6] =	sst s8  }
0x11: {  	[smem:$0x3FB7] =	sst s9;
	s0 =	simm.s32 @!p0 $0x0  }
0x12: {  	s1 =	sld [smem:$0x3F9D];
	s0 =	simm.s32 @p0 $0x1  }
0x13: {  	[smem:$0x3FB8] =	sst s0;
	s0 =	simm.s32 @!p1 $0x0  }
0x14: {  	s2 =	sld [smem:$0x3F9C];
	s0 =	simm.s32 @p1 $0x1  }
0x15: {  	[smem:$0x3FB9] =	sst s0;
	s0 =	simm.s32 @!p2 $0x0  }
0x16: {  	s3 =	sld [smem:$0x3FDB];
	s0 =	simm.s32 @p2 $0x1  }
0x17: {  	s4 =	simm.s32 $0x1BF5;
	[smem:$0x3FBB] =	sst s0  }
0x18: {  	s0 =	sld [smem:$0x3F9E];
	_ =	swait.ge [sflag:s4], $0x0  }
0x19: {  	s7 =	sld [smem:$0x3F9F]  }
0x1a: {  	s8 =	sadd.s32 $0xFFFFE003, lr  }
0x1b: {  	s9 =	sadd.s32 $0xFFFFFEF7, lr;
	s5 =	simm.s32 $0xFFFFFFFF;
	p2 =	slt.u32 s8, $0xFFFFF086  }
0x1c: {  	p1 =	slt.u32 s9, $0xF7A;
	s5 =	simm.s32 @!p2 $0x0  }
0x1d: {  	s5 =	simm.s32 @p1 $0x1;
	p0 =	seq.s32 s7, s2  }
0x1e: {  	s7 =	smul.u32 @!p0 $0xF7A, s2;
	p2 =	seq.s32 @!p0 s5, $0x0  }
0x1f: {  	s9 =	smul.u32 $0xF7A, s1;
	s8 =	simm.s32 @!p0 $0x1BF5;
	p2 =	por !p2, p0  }
0x20: {  	[sflag:s8] =	ssyncset.s32 @!p0 $0xFFFFF086;
	s6 =	sadd.s32 @!p0 s3, s7;
	s7 =	simm.s32 @!p0 $0x108  }
0x21: {  	s3 =	sadd.s32 s3, s9;
	s6 =	sadd.s32 @!p0 $0x88, s6;
	s7 =	simm.s32 @p2 $0x1082  }
0x22: {  	[simem:s7], [sflag:s8] =	dma.local @!p0 [hbm:s6], $0xF7A  }
0x23: {  	s9 =	sor.u32 $0xD0000000, s2;
	s6 =	simm.s32 $0x108;
	_ =	swait.ge @!p0 [sflag:s8], $0x0  }
0x24: {  	s3 =	sadd.s32 $0x88, s3;
	s6 =	simm.s32 @!p1 $0x1082;
	[sflag:s4] =	ssyncset.s32 $0xFFFFF086  }
0x25: {  	[simem:s6], [sflag:s4] =	dma.local [hbm:s3], $0xF7A  }
0x26: {  	[smem:$0x3F9F] =	sst s1;
	(tag) =	ssettag s2;
	_ =	strace s9  }
0x27: {  	s1 =	sld [smem:$0x3FAF]  }
0x28: {  	s2 =	sld [smem:$0x3FB0]  }
0x29: {  	s4 =	sld [smem:$0x3FB2]  }
0x2a: {  	p0 =	seq.s32 s5, $0x0;
	s5 =	sld [smem:$0x3FB3]  }
0x2b: {  	s6 =	sld [smem:$0x3FB4]  }
0x2c: {  	s7 =	sld [smem:$0x3FB5]  }
0x2d: {  	s3 =	simm.s32 $0x108;
	s8 =	sld [smem:$0x3FB6]  }
0x2e: {  	s3 =	simm.s32 @!p0 $0x1082;
	s9 =	sld [smem:$0x3FB7]  }
0x2f: {  	lr =	sadd.s32 s0, s3;
	s0 =	sld [smem:$0x3FAE]  }
0x30: {  	s3 =	sld [smem:$0x3FB1]  }
0x31: {  	[smem:$0x3FBA] =	sst s10  }
0x32: {  	s10 =	sld [smem:$0x3FB8];
	_ =	sdelay $0x3  }
0x33: {  	p0 =	seq.s32 s10, $0x1;
	s10 =	sld [smem:$0x3FBA];
	_ =	sdelay $0x3  }
0x34: {  	[smem:$0x3FBA] =	sst s10  }
0x35: {  	s10 =	sld [smem:$0x3FB9];
	_ =	sdelay $0x3  }
0x36: {  	p1 =	seq.s32 s10, $0x1;
	s10 =	sld [smem:$0x3FBA];
	_ =	sdelay $0x3  }
0x37: {  	[smem:$0x3FBA] =	sst s10  }
0x38: {  	s10 =	sld [smem:$0x3FBB]  }
0x39: {  	_ = 	snop;
	(pc) =	sbr.ind lr, $3  }
0x3a: {  	_ = 	snop  }
0x3b: {  	_ = 	snop  }
0x3c: {  	p2 =	seq.s32 s10, $0x1;
	s10 =	sld [smem:$0x3FBA]  }
0x3d: {  	_ =	shalt  }
0x3e: {  	_ =	shalt  }
0x3f: {  	_ =	shalt  }
0x40: {  	_ =	shalt  }
0x41: {  	_ =	shalt  }
0x42: {  	_ =	shalt  }
0x43: {  	_ =	shalt  }
0x44: {  	_ =	shalt  }
0x45: {  	_ =	shalt  }
0x46: {  	_ =	shalt  }
0x47: {  	_ =	shalt  }
0x48: {  	_ =	shalt  }
0x49: {  	_ =	shalt  }
0x4a: {  	_ =	shalt  }
0x4b: {  	_ =	shalt  }
0x4c: {  	_ =	shalt  }
0x4d: {  	_ =	shalt  }
0x4e: {  	_ =	shalt  }
0x4f: {  	_ =	shalt  }
0x50: {  	_ =	shalt  }
0x51: {  	_ =	shalt  }
0x52: {  	_ =	shalt  }
0x53: {  	_ =	shalt  }
0x54: {  	_ =	shalt  }
0x55: {  	_ =	shalt  }
0x56: {  	_ =	shalt  }
0x57: {  	_ =	shalt  }
0x58: {  	_ =	shalt  }
0x59: {  	_ =	shalt  }
0x5a: {  	_ =	shalt  }
0x5b: {  	_ =	shalt  }
0x5c: {  	_ =	shalt  }
0x5d: {  	_ =	shalt  }
0x5e: {  	_ =	shalt  }
0x5f: {  	_ =	shalt  }
0x60: {  	_ =	shalt  }
0x61: {  	_ =	shalt  }
0x62: {  	_ =	shalt  }
0x63: {  	_ =	shalt  }
0x64: {  	_ =	shalt  }
0x65: {  	_ =	shalt  }
0x66: {  	_ =	shalt  }
0x67: {  	_ =	shalt  }
0x68: {  	_ =	shalt  }
0x69: {  	_ =	shalt  }
0x6a: {  	_ =	shalt  }
0x6b: {  	_ =	shalt  }
0x6c: {  	_ =	shalt  }
0x6d: {  	_ =	shalt  }
0x6e: {  	_ =	shalt  }
0x6f: {  	_ =	shalt  }
0x70: {  	_ =	shalt  }
0x71: {  	_ =	shalt  }
0x72: {  	_ =	shalt  }
0x73: {  	_ =	shalt  }
0x74: {  	_ =	shalt  }
0x75: {  	_ =	shalt  }
0x76: {  	_ =	shalt  }
0x77: {  	_ =	shalt  }
0x78: {  	_ =	shalt  }
0x79: {  	_ =	shalt  }
0x7a: {  	_ =	shalt  }
0x7b: {  	_ =	shalt  }
0x7c: {  	_ =	shalt  }
0x7d: {  	_ =	shalt  }
0x7e: {  	_ =	shalt  }
0x7f: {  	_ =	shalt  }
0x80: {  	_ =	shalt  }
0x81: {  	_ =	shalt  }
0x82: {  	_ =	shalt  }
0x83: {  	_ =	shalt  }
0x84: {  	_ =	shalt  }
0x85: {  	_ =	shalt  }
0x86: {  	_ =	shalt  }
0x87: {  	_ =	shalt  }
.Lfunc_end0:
.L_simem_size_0:
called_computation.1_lowered:
.L_overlay_start_0:
0x88: {  	s2 =	sld [smem:$0x3FD9]  }
0x89: {  	s3 =	sld [smem:$0x3FFE];
	_ =	sdelay $0x1  }
0x8a: {  	s1 =	srdreg.scid  }
0x8b: {  	s0 =	sand.u32 $0x1, s1  }
0x8c: {  	s17 =	sshll.u32 s0, $0xA;
	s2 =	sadd.s32 s3, s2  }
0x8d: {  	s2 =	sadd.s32 s2, s17  }
0x8e: {  	[smem:$0x3FC6] =	sst s2  }
0x8f: {  	_ = 	snop  }
0x90: {  	s2 =	sld [smem:$0x3FD0];
	(tm) =	ssettm $0x1  }
0x91: {  	s18 =	sld [smem:$0x3FFB];
	_ =	sdelay $0x3  }
0x92: {  	_ =	strace s18  }
0x93: {  	s3 =	sld [smem:$0x3FFC];
	_ =	sdelay $0x3  }
0x94: {  	_ =	strace s3  }
0x95: {  	s3 =	sld [smem:$0x3FFD];
	_ =	sdelay $0x3  }
0x96: {  	_ =	strace s3  }
0x97: {  	_ =	strace $0x8FFFFFFF  }
0x98: {  	s19 =	sld [smem:$0x3FDB];
	_ =	sdelay $0x1  }
0x99: {  	s4 =	simm.s32 $_scs_section_size  }
0x9a: {  	s5 =	simm.s32 $_size__tile_overlayer_lowered;
	s6 =	simm.s32 $_tile_overlayer_lowered  }
0x9b: {  	s22 =	simm.s32 $0x1BFF;
	s21 =	sshll.u32 s6, $0x1;
	s3 =	sadd.s32 s4, s19  }
0x9c: {  	s7 =	simm.s32 $0x0;
	s20 =	sshll.u32 s5, $0x1;
	s5 =	sadd.s32 s21, s3  }
0x9d: {  	[timem:s7], [sflag:s22] =	dma.local [hbm:s5], s20  }
0x9e: {  	_ =	swait.ge [sflag:s22], s20  }
0x9f: {  	s4 =	ssub.s32 $0x0, s20;
	[sflag:s22] =	ssyncset.done $0x0  }
0xa0: {  	[sflag:s22] =	ssyncadd.s32 s4;
	_ =	sdelay $0x1  }
0xa1: {  	s23 =	simm.s32 $0x1B8B  }
0xa2: {  	_ =	swait.ge [sflag:s23], $0x1  }
0xa3: {  	[sflag:s23] =	ssyncset.done $0x0  }
0xa4: {  	s25 =	simm.s32 $0x1B8E;
	s24 =	sld [smem:$0x3FFE];
	[sflag:s23] =	ssyncadd.s32 $0xFFFFFFFF  }
0xa5: {  	s26 =	simm.s32 $execute0_lowered;
	[smem:$0x3FD2] =	sst s25  }
0xa6: {  	s5 =	sshll.u32 s26, $0x1;
	_ =	strace $0x80000046;
	[dreg:$0x1] =	wrdreg $0xFFFFFFFF  }
0xa7: {  	s28 =	simm.s32 $_size_execute0_lowered;
	s3 =	sadd.s32 s3, s5;
	[dreg:$0x0] =	wrdreg $0x0  }
0xa8: {  	s5 =	sshll.u32 s28, $0x1;
	[dreg:$0x2] =	wrdreg s3  }
0xa9: {  	[dreg:$0x3] =	wrdreg s5  }
0xaa: {  	[dreg:$0x4] =	wrdreg $0xC0  }
0xab: {  	_ =	task [dreg:s7], $0x5FFFF  }
0xac: {  	[dreg:$0x1] =	wrdreg $0xFFFFFFFF  }
0xad: {  	[dreg:$0x0] =	wrdreg $0x60  }
0xae: {  	[dreg:$0x2] =	wrdreg s2  }
0xaf: {  	[dreg:$0x3] =	wrdreg s24  }
0xb0: {  	[dreg:$0x4] =	wrdreg $0x164000  }
0xb1: {  	[dreg:$0x5] =	wrdreg $0x9  }
0xb2: {  	_ =	task.clear_ibuf [dreg:s7], $0x6FFFF;
	_ =	strace $0x90000046  }
0xb3: {  	s29 =	simm.s32 $0x9;
	_ =	strace $0x80000048  }
0xb4: {  	_ =	swait.ge [sflag:s29], $0x1  }
0xb5: {  	[sflag:s29] =	ssyncadd.s32 $0xFFFFFFFF  }
0xb6: {  	_ =	strace $0x90000048  }
0xb7: {  	_ =	sfence  }
0xb8: {  	s30 =	sld [smem:$0x0];
	_ =	sdelay $0x2  }
0xb9: {  	s31 =	sshll.u32 s1, $0xD;
	s1 =	sshrl.u32 s1, $0x2  }
0xba: {  	s3 =	sand.u32 $0x4000, s31;
	s1 =	sadd.s32 s1, s30  }
0xbb: {  	s0 =	sor.u32 s3, s0;
	s1 =	sshll.u32 s1, $0x11  }
0xbc: {  	s0 =	sor.u32 s1, s0  }
0xbd: {  	s0 =	sadd.s32 $0x8F2B, s0  }
0xbe: {  	[sflag:s0] =	ssyncadd.remote.s32 $0x1  }
0xbf: {  	_ =	sfence.sel $0xFFFF  }
0xc0: {  	[dreg:$0x0] =	wrdreg $0xFFFFFFFF;
	(pc) =	sbr.abs _section_cstart, $3  }
0xc1: {  	[dreg:$0x1] =	wrdreg $0xFFFFFFFF  }
0xc2: {  	_ =	task.clear_ibuf [dreg:s7], $0x2FFFF;
	_ =	strace $0x9FFFFFFF  }
0xc3: {  	(tm) =	ssettm $0x7FFFFFFF  }
tec
execute0_lowered:
.L_overlay_start_1:
0x0: {  	(tag) =	ssettag $0x1  }
0x1: {  	s0 =	rddreg [dreg:$0x0];
	s1 =	srdreg.scid  }
0x2: {  	s2 =	stileid.u32;
	s3 =	rddreg [dreg:$0x1];
	s7 =	simm.s32 $0x0  }
0x3: {  	s28 =	simm.s32 $0x5;
	s30 =	simm.s32 $0x6;
	s31 =	simm.s32 $0x12400  }
0x4: {  	s4 =	sand.u32 $0x1, s1;
	s5 =	sshll.u32 s2, $0x1;
	s1 =	rddreg [dreg:$0x2]  }
0x5: {  	[smem:$0x7FF] =	sst s7;
	s26 =	smul.u32 $0x640000, s2;
	s8 =	sadd.s32 $0x800, s3  }
0x6: {  	s3 =	sadd.s32 $0x2800, s3;
	s11 =	smul.u32 $0xC800, s2;
	s5 =	sor.u32 s4, s5  }
0x7: {  	p0 =	sne.s32 s2, $0x0;
	s29 =	ssub.s32 $0x2, s4;
	s6 =	smul.u32 $0x6400, s5  }
0x8: {  	s2 =	simm.s32 $0x7;
	s5 =	smul.u32 $0x320000, s5;
	s10 =	sshrl.u32 s29, $0x1  }
0x9: {  	_ =	strace $0x80000047;
	[dreg:$0xc] =	wrdreg s8;
	s8 =	ssub.s32 s29, s10  }
0xa: {  	s6 =	sshrl.u32 s6, $0x3;
	s5 =	sshrl.u32 s5, $0x3;
	s25 =	smax.u32 s8, $0x1  }
0xb: {  	s0 =	sadd.s32 s0, s6;
	s12 =	sadd.s32 s3, s5;
	[dreg:$0x16] =	wrdreg s25  }
0xc: {  	s7 =	simm.s32 $0xC;
	[dreg:$0xd] =	wrdreg s0;
	s5 =	sadd.s32 $0x60000, s12  }
0xd: {  	s9 =	smul.u32 $0x320000, s4;
	s14 =	sadd.s32 $0x60800, s12;
	[dreg:$0xe] =	wrdreg s5  }
0xe: {  	s4 =	smul.u32 $0x6400, s4;
	s15 =	sadd.s32 $0x61000, s12;
	[dreg:$0xf] =	wrdreg s14  }
0xf: {  	s13 =	sadd.s32 s9, s26;
	s16 =	sadd.s32 $0x61800, s12;
	[dreg:$0x10] =	wrdreg s15  }
0x10: {  	s4 =	sadd.s32 s4, s11;
	s18 =	sadd.s32 $0x62000, s12;
	[dreg:$0x11] =	wrdreg s16  }
0x11: {  	s9 =	simm.s32 $0xE;
	s20 =	sadd.s32 $0x62800, s12;
	[dreg:$0x12] =	wrdreg s18  }
0x12: {  	s10 =	simm.s32 $0xF;
	s22 =	sadd.s32 $0x63000, s12;
	[dreg:$0x13] =	wrdreg s20  }
0x13: {  	s4 =	sshll.u32 s4, $0x4;
	s0 =	sadd.s32 $0x63800, s12;
	[dreg:$0x14] =	wrdreg s22  }
0x14: {  	s5 =	sshrl.u32 s13, $0x3;
	[dreg:$0x15] =	wrdreg s0;
	s0 =	sshrl.u32 @!p0 s1, $0x3  }
0x15: {  	s5 =	sadd.s32 s5, s3;
	s3 =	sadd.s32 s4, s3;
	[dreg:$0x17] =	wrdreg s0  }
0x16: {  	s11 =	simm.s32 $0x10;
	[dreg:$0x4] =	wrdreg s5;
	s17 =	sadd.s32 $0x3800, s3  }
0x17: {  	s8 =	simm.s32 $0xD;
	s19 =	sadd.s32 $0x3000, s3;
	[dreg:$0x5] =	wrdreg s17  }
0x18: {  	s25 =	simm.s32 $0x4;
	s21 =	sadd.s32 $0x2800, s3;
	[dreg:$0x6] =	wrdreg s19  }
0x19: {  	s6 =	simm.s32 $0xB;
	s23 =	sadd.s32 $0x2000, s3;
	[dreg:$0x7] =	wrdreg s21  }
0x1a: {  	s16 =	simm.s32 $0x80;
	s24 =	sadd.s32 $0x1800, s3;
	[dreg:$0x8] =	wrdreg s23  }
0x1b: {  	s4 =	simm.s32 $0x9;
	s26 =	sadd.s32 $0x1000, s3;
	[dreg:$0x9] =	wrdreg s24  }
0x1c: {  	s0 =	simm.s32 $0x0;
	s29 =	sadd.s32 $0x800, s3;
	[dreg:$0xa] =	wrdreg s26  }
0x1d: {  	s3 =	simm.s32 $0x8;
	s5 =	simm.s32 $0xA;
	[dreg:$0xb] =	wrdreg s29  }
0x1e: {  	s19 =	simm.s32 $0x40;
	s21 =	simm.s32 $0x2;
	s23 =	simm.s32 $0x3  }
.LBB2_1:
0x1f: {  	[dreg:$0x18] =	wrdreg s0  }
0x20: {  	s13 =	rddreg [dreg:$0xc]  }
0x21: {  	s12 =	simm.s32 @!p0 $0x1C11;
	s14 =	rddreg [dreg:$0x17]  }
0x22: {  	[spmem:s14], [sflag:s12] =	dma.local @!p0 [hbm:s13], $0x1F40  }
0x23: {  	s12 =	simm.s32 @!p0 $0x11  }
0x24: {  	_ =	swait.ge @!p0 [sflag:s12], $0x1F40  }
0x25: {  	s17 =	simm.s32 $0x0;
	[sflag:s12] =	ssyncset.done @!p0 $0x0  }
0x26: {  	s20 =	simm.s32 $0x11;
	s18 =	rddreg [dreg:$0xd];
	[sflag:s12] =	ssyncadd.s32 @!p0 $0xFFFFE0C0  }
0x27: {  	[tilespmem:s17], [sflag:$0x11] =	stream.linear.gather [hbm4b:s18+s17], $0x6400, $0x38;
	[tilespmem:$0x173A0] =	vst v63  }
0x28: {  	_ =	swait.ge [sflag:s20], $0x6400  }
0x29: {  	[sflag:s20] =	ssyncset.done $0x0  }
0x2a: {  	[sflag:s20] =	ssyncadd.s32 $0xFFFF9C00  }
0x2b: {  	s13 =	simm.s32 $0x6400;
	[bflag:$0x0] =	sbarrier.arrive $0xFFFF  }
0x2c: {  	[tilespmem:s13], [sflag:$0x1] =	stream.indirect.gather [spmem:s1], $0x40, s17, s16, $0xb8;
	[tilespmem:$0x173A0] =	vst v63  }
0x2d: {  	s14 =	simm.s32 $0x8400  }
0x2e: {  	[tilespmem:s14], [sflag:$0x2] =	stream.indirect.gather [spmem:s1], $0x40, s16, s16, $0xb8;
	[tilespmem:$0x173A0] =	vst v63  }
0x2f: {  	s22 =	simm.s32 $0x100;
	s15 =	simm.s32 $0xA400  }
0x30: {  	[tilespmem:s15], [sflag:$0x3] =	stream.indirect.gather [spmem:s1], $0x40, s22, s16, $0xb8;
	[tilespmem:$0x173A0] =	vst v63  }
0x31: {  	s24 =	simm.s32 $0x180;
	s17 =	simm.s32 $0xC400  }
0x32: {  	[tilespmem:s17], [sflag:$0x4] =	stream.indirect.gather [spmem:s1], $0x40, s24, s16, $0xb8;
	[tilespmem:$0x173A0] =	vst v63  }
0x33: {  	s26 =	simm.s32 $0x200;
	s18 =	simm.s32 $0xE400  }
0x34: {  	[tilespmem:s18], [sflag:$0x5] =	stream.indirect.gather [spmem:s1], $0x40, s26, s16, $0xb8;
	[tilespmem:$0x173A0] =	vst v63  }
0x35: {  	s29 =	simm.s32 $0x280;
	s20 =	simm.s32 $0x10400  }
0x36: {  	[tilespmem:s20], [sflag:$0x6] =	stream.indirect.gather [spmem:s1], $0x40, s29, s16, $0xb8;
	[tilespmem:$0x173A0] =	vst v63  }
0x37: {  	s0 =	simm.s32 $0x300;
	s22 =	simm.s32 $0x12400  }
0x38: {  	[tilespmem:s22], [sflag:$0x7] =	stream.indirect.gather [spmem:s1], $0x40, s0, s16, $0xb8;
	[tilespmem:$0x173A0] =	vst v63  }
0x39: {  	s24 =	simm.s32 $0x380;
	s0 =	simm.s32 $0x14400  }
0x3a: {  	[tilespmem:s0], [sflag:$0x8] =	stream.indirect.gather [spmem:s1], $0x40, s24, s16, $0xb8;
	[tilespmem:$0x173A0] =	vst v63  }
0x3b: {  	s24 =	simm.s32 $0x1  }
0x3c: {  	_ =	swait.ge [sflag:s24], $0x2000  }
0x3d: {  	s26 =	rddreg [dreg:$0x4];
	[sflag:s24] =	ssyncset.done $0x0  }
0x3e: {  	[sflag:s24] =	ssyncadd.s32 $0xFFFFE000;
	s12 =	sadd.s32 $0x0, s26  }
0x3f: {  	[hbm4b:s12+s19] =	stream.strided.scatter [tilespmem:s13], [sflag:$0x9], $0x2000, s16, s19, $0x38;
	[tilespmem:$0x173A0] =	vst v63  }
0x40: {  	_ =	swait.ge [sflag:s21], $0x2000  }
0x41: {  	s29 =	rddreg [dreg:$0xb];
	[sflag:s21] =	ssyncset.done $0x0  }
0x42: {  	[sflag:s21] =	ssyncadd.s32 $0xFFFFE000;
	s12 =	sadd.s32 $0x0, s29  }
0x43: {  	[hbm4b:s12+s19] =	stream.strided.scatter [tilespmem:s14], [sflag:$0xA], $0x2000, s16, s19, $0x38;
	[tilespmem:$0x173A0] =	vst v63  }
0x44: {  	_ =	swait.ge [sflag:s23], $0x2000  }
0x45: {  	s24 =	rddreg [dreg:$0xa];
	[sflag:s23] =	ssyncset.done $0x0  }
0x46: {  	[sflag:s23] =	ssyncadd.s32 $0xFFFFE000;
	s12 =	sadd.s32 $0x0, s24  }
0x47: {  	[hbm4b:s12+s19] =	stream.strided.scatter [tilespmem:s15], [sflag:$0xB], $0x2000, s16, s19, $0x38;
	[tilespmem:$0x173A0] =	vst v63  }
0x48: {  	_ =	swait.ge [sflag:s25], $0x2000  }
0x49: {  	s26 =	rddreg [dreg:$0x9];
	[sflag:s25] =	ssyncset.done $0x0  }
0x4a: {  	[sflag:s25] =	ssyncadd.s32 $0xFFFFE000;
	s12 =	sadd.s32 $0x0, s26  }
0x4b: {  	[hbm4b:s12+s19] =	stream.strided.scatter [tilespmem:s17], [sflag:$0xC], $0x2000, s16, s19, $0x38;
	[tilespmem:$0x173A0] =	vst v63  }
0x4c: {  	_ =	swait.ge [sflag:s28], $0x2000  }
0x4d: {  	s29 =	rddreg [dreg:$0x8];
	[sflag:s28] =	ssyncset.done $0x0  }
0x4e: {  	[sflag:s28] =	ssyncadd.s32 $0xFFFFE000;
	s12 =	sadd.s32 $0x0, s29  }
0x4f: {  	[hbm4b:s12+s19] =	stream.strided.scatter [tilespmem:s18], [sflag:$0xD], $0x2000, s16, s19, $0x38;
	[tilespmem:$0x173A0] =	vst v63  }
0x50: {  	_ =	swait.ge [sflag:s30], $0x2000  }
0x51: {  	s24 =	rddreg [dreg:$0x7];
	[sflag:s30] =	ssyncset.done $0x0  }
0x52: {  	[sflag:s30] =	ssyncadd.s32 $0xFFFFE000;
	s12 =	sadd.s32 $0x0, s24  }
0x53: {  	[hbm4b:s12+s19] =	stream.strided.scatter [tilespmem:s20], [sflag:$0xE], $0x2000, s16, s19, $0x38;
	[tilespmem:$0x173A0] =	vst v63  }
0x54: {  	_ =	swait.ge [sflag:s2], $0x2000  }
0x55: {  	s26 =	rddreg [dreg:$0x6];
	[sflag:s2] =	ssyncset.done $0x0  }
0x56: {  	[sflag:s2] =	ssyncadd.s32 $0xFFFFE000;
	s12 =	sadd.s32 $0x0, s26  }
0x57: {  	[hbm4b:s12+s19] =	stream.strided.scatter [tilespmem:s22], [sflag:$0xF], $0x2000, s16, s19, $0x38;
	[tilespmem:$0x173A0] =	vst v63  }
0x58: {  	_ =	swait.ge [sflag:s3], $0x2000  }
0x59: {  	s29 =	rddreg [dreg:$0x5];
	[sflag:s3] =	ssyncset.done $0x0  }
0x5a: {  	[sflag:s3] =	ssyncadd.s32 $0xFFFFE000;
	s12 =	sadd.s32 $0x0, s29  }
0x5b: {  	[hbm4b:s12+s19] =	stream.strided.scatter [tilespmem:s0], [sflag:$0x10], $0x2000, s16, s19, $0x38;
	[tilespmem:$0x173A0] =	vst v63  }
0x5c: {  	_ =	swait.ge [sflag:s4], $0x2000  }
0x5d: {  	[sflag:s4] =	ssyncset.done $0x0  }
0x5e: {  	s0 =	simm.s32 $0x400;
	[sflag:s4] =	ssyncadd.s32 $0xFFFFE000  }
0x5f: {  	[tilespmem:s13], [sflag:$0x1] =	stream.indirect.gather [spmem:s1], $0x40, s0, s16, $0xb8;
	[tilespmem:$0x173A0] =	vst v63  }
0x60: {  	_ =	swait.ge [sflag:s5], $0x2000  }
0x61: {  	[sflag:s5] =	ssyncset.done $0x0  }
0x62: {  	s13 =	simm.s32 $0x480;
	[sflag:s5] =	ssyncadd.s32 $0xFFFFE000  }
0x63: {  	[tilespmem:s14], [sflag:$0x2] =	stream.indirect.gather [spmem:s1], $0x40, s13, s16, $0xb8;
	[tilespmem:$0x173A0] =	vst v63  }
0x64: {  	_ =	swait.ge [sflag:s6], $0x2000  }
0x65: {  	[sflag:s6] =	ssyncset.done $0x0  }
0x66: {  	s14 =	simm.s32 $0x500;
	[sflag:s6] =	ssyncadd.s32 $0xFFFFE000  }
0x67: {  	[tilespmem:s15], [sflag:$0x3] =	stream.indirect.gather [spmem:s1], $0x40, s14, s16, $0xb8;
	[tilespmem:$0x173A0] =	vst v63  }
0x68: {  	_ =	swait.ge [sflag:s7], $0x2000  }
0x69: {  	[sflag:s7] =	ssyncset.done $0x0  }
0x6a: {  	s15 =	simm.s32 $0x580;
	[sflag:s7] =	ssyncadd.s32 $0xFFFFE000  }
0x6b: {  	[tilespmem:s17], [sflag:$0x4] =	stream.indirect.gather [spmem:s1], $0x40, s15, s16, $0xb8;
	[tilespmem:$0x173A0] =	vst v63  }
0x6c: {  	_ =	swait.ge [sflag:s8], $0x2000  }
0x6d: {  	[sflag:s8] =	ssyncset.done $0x0  }
0x6e: {  	s24 =	simm.s32 $0x600;
	[sflag:s8] =	ssyncadd.s32 $0xFFFFE000  }
0x6f: {  	[tilespmem:s18], [sflag:$0x5] =	stream.indirect.gather [spmem:s1], $0x40, s24, s16, $0xb8;
	[tilespmem:$0x173A0] =	vst v63  }
0x70: {  	_ =	swait.ge [sflag:s9], $0x2000  }
0x71: {  	[sflag:s9] =	ssyncset.done $0x0  }
0x72: {  	s26 =	simm.s32 $0x680;
	[sflag:s9] =	ssyncadd.s32 $0xFFFFE000  }
0x73: {  	[tilespmem:s20], [sflag:$0x6] =	stream.indirect.gather [spmem:s1], $0x40, s26, s16, $0xb8;
	[tilespmem:$0x173A0] =	vst v63  }
0x74: {  	_ =	swait.ge [sflag:s10], $0x2000  }
0x75: {  	[sflag:s10] =	ssyncset.done $0x0  }
0x76: {  	s29 =	simm.s32 $0x700;
	[sflag:s10] =	ssyncadd.s32 $0xFFFFE000  }
0x77: {  	[tilespmem:s22], [sflag:$0x7] =	stream.indirect.gather [spmem:s1], $0x40, s29, s16, $0xb8;
	[tilespmem:$0x173A0] =	vst v63  }
0x78: {  	_ =	swait.ge [sflag:s11], $0x2000  }
0x79: {  	s13 =	simm.s32 $0x780;
	[sflag:s11] =	ssyncset.done $0x0  }
0x7a: {  	s14 =	simm.s32 $0x4000;
	s15 =	simm.s32 $0xB80;
	[sflag:s11] =	ssyncadd.s32 $0xFFFFE000  }
.LBB2_2:
0x7b: {  	s0 =	simm.s32 $0x14400;
	s18 =	simm.s32 $0x1  }
0x7c: {  	[tilespmem:s0], [sflag:$0x8] =	stream.indirect.gather [spmem:s1], $0x40, s13, s16, $0xb8;
	[tilespmem:$0x173A0] =	vst v63  }
0x7d: {  	_ =	swait.ge [sflag:s18], $0x2000  }
0x7e: {  	s12 =	smov.u32 s14;
	s17 =	rddreg [dreg:$0x4];
	[sflag:s18] =	ssyncset.done $0x0  }
0x7f: {  	[sflag:s18] =	ssyncadd.s32 $0xFFFFE000;
	s17 =	sadd.s32 s12, s17;
	s18 =	simm.s32 $0x6400  }
0x80: {  	[hbm4b:s17+s19] =	stream.strided.scatter [tilespmem:s18], [sflag:$0x9], $0x2000, s16, s19, $0x38;
	[tilespmem:$0x173A0] =	vst v63  }
0x81: {  	_ =	swait.ge [sflag:s21], $0x2000  }
0x82: {  	s20 =	rddreg [dreg:$0xb];
	[sflag:s21] =	ssyncset.done $0x0  }
0x83: {  	[sflag:s21] =	ssyncadd.s32 $0xFFFFE000;
	s17 =	sadd.s32 s12, s20;
	s20 =	simm.s32 $0x8400  }
0x84: {  	[hbm4b:s17+s19] =	stream.strided.scatter [tilespmem:s20], [sflag:$0xA], $0x2000, s16, s19, $0x38;
	[tilespmem:$0x173A0] =	vst v63  }
0x85: {  	_ =	swait.ge [sflag:s23], $0x2000  }
0x86: {  	s22 =	rddreg [dreg:$0xa];
	[sflag:s23] =	ssyncset.done $0x0  }
0x87: {  	[sflag:s23] =	ssyncadd.s32 $0xFFFFE000;
	s17 =	sadd.s32 s12, s22;
	s22 =	simm.s32 $0xA400  }
0x88: {  	[hbm4b:s17+s19] =	stream.strided.scatter [tilespmem:s22], [sflag:$0xB], $0x2000, s16, s19, $0x38;
	[tilespmem:$0x173A0] =	vst v63  }
0x89: {  	_ =	swait.ge [sflag:s25], $0x2000  }
0x8a: {  	s24 =	rddreg [dreg:$0x9];
	[sflag:s25] =	ssyncset.done $0x0  }
0x8b: {  	[sflag:s25] =	ssyncadd.s32 $0xFFFFE000;
	s17 =	sadd.s32 s12, s24;
	s24 =	simm.s32 $0xC400  }
0x8c: {  	[hbm4b:s17+s19] =	stream.strided.scatter [tilespmem:s24], [sflag:$0xC], $0x2000, s16, s19, $0x38;
	[tilespmem:$0x173A0] =	vst v63  }
0x8d: {  	_ =	swait.ge [sflag:s28], $0x2000  }
0x8e: {  	s26 =	rddreg [dreg:$0x8];
	[sflag:s28] =	ssyncset.done $0x0  }
0x8f: {  	[sflag:s28] =	ssyncadd.s32 $0xFFFFE000;
	s17 =	sadd.s32 s12, s26;
	s26 =	simm.s32 $0xE400  }
0x90: {  	[hbm4b:s17+s19] =	stream.strided.scatter [tilespmem:s26], [sflag:$0xD], $0x2000, s16, s19, $0x38;
	[tilespmem:$0x173A0] =	vst v63  }
0x91: {  	_ =	swait.ge [sflag:s30], $0x2000  }
0x92: {  	s17 =	rddreg [dreg:$0x7];
	[sflag:s30] =	ssyncset.done $0x0  }
0x93: {  	s29 =	simm.s32 $0x10400;
	[sflag:s30] =	ssyncadd.s32 $0xFFFFE000;
	s17 =	sadd.s32 s12, s17  }
0x94: {  	[hbm4b:s17+s19] =	stream.strided.scatter [tilespmem:s29], [sflag:$0xE], $0x2000, s16, s19, $0x38;
	[tilespmem:$0x173A0] =	vst v63  }
0x95: {  	_ =	swait.ge [sflag:s2], $0x2000  }
0x96: {  	s17 =	rddreg [dreg:$0x6];
	[sflag:s2] =	ssyncset.done $0x0  }
0x97: {  	[sflag:s2] =	ssyncadd.s32 $0xFFFFE000;
	s17 =	sadd.s32 s12, s17  }
0x98: {  	[hbm4b:s17+s19] =	stream.strided.scatter [tilespmem:s31], [sflag:$0xF], $0x2000, s16, s19, $0x38;
	[tilespmem:$0x173A0] =	vst v63  }
0x99: {  	_ =	swait.ge [sflag:s3], $0x2000  }
0x9a: {  	s17 =	rddreg [dreg:$0x5];
	[sflag:s3] =	ssyncset.done $0x0  }
0x9b: {  	[sflag:s3] =	ssyncadd.s32 $0xFFFFE000;
	s12 =	sadd.s32 s12, s17  }
0x9c: {  	[hbm4b:s12+s19] =	stream.strided.scatter [tilespmem:s0], [sflag:$0x10], $0x2000, s16, s19, $0x38;
	[tilespmem:$0x173A0] =	vst v63  }
0x9d: {  	_ =	swait.ge [sflag:s4], $0x2000  }
0x9e: {  	[sflag:s4] =	ssyncset.done $0x0  }
0x9f: {  	s0 =	sadd.s32 $0xFFFFFC80, s15;
	[sflag:s4] =	ssyncadd.s32 $0xFFFFE000  }
0xa0: {  	[tilespmem:s18], [sflag:$0x1] =	stream.indirect.gather [spmem:s1], $0x40, s0, s16, $0xb8;
	[tilespmem:$0x173A0] =	vst v63  }
0xa1: {  	_ =	swait.ge [sflag:s5], $0x2000  }
0xa2: {  	[sflag:s5] =	ssyncset.done $0x0  }
0xa3: {  	s0 =	sadd.s32 $0xFFFFFD00, s15;
	[sflag:s5] =	ssyncadd.s32 $0xFFFFE000  }
0xa4: {  	[tilespmem:s20], [sflag:$0x2] =	stream.indirect.gather [spmem:s1], $0x40, s0, s16, $0xb8;
	[tilespmem:$0x173A0] =	vst v63  }
0xa5: {  	_ =	swait.ge [sflag:s6], $0x2000  }
0xa6: {  	[sflag:s6] =	ssyncset.done $0x0  }
0xa7: {  	s0 =	sadd.s32 $0xFFFFFD80, s15;
	[sflag:s6] =	ssyncadd.s32 $0xFFFFE000  }
0xa8: {  	[tilespmem:s22], [sflag:$0x3] =	stream.indirect.gather [spmem:s1], $0x40, s0, s16, $0xb8;
	[tilespmem:$0x173A0] =	vst v63  }
0xa9: {  	_ =	swait.ge [sflag:s7], $0x2000  }
0xaa: {  	[sflag:s7] =	ssyncset.done $0x0  }
0xab: {  	s0 =	sadd.s32 $0xFFFFFE00, s15;
	[sflag:s7] =	ssyncadd.s32 $0xFFFFE000  }
0xac: {  	[tilespmem:s24], [sflag:$0x4] =	stream.indirect.gather [spmem:s1], $0x40, s0, s16, $0xb8;
	[tilespmem:$0x173A0] =	vst v63  }
0xad: {  	_ =	swait.ge [sflag:s8], $0x2000  }
0xae: {  	[sflag:s8] =	ssyncset.done $0x0  }
0xaf: {  	s0 =	sadd.s32 $0xFFFFFE80, s15;
	[sflag:s8] =	ssyncadd.s32 $0xFFFFE000  }
0xb0: {  	[tilespmem:s26], [sflag:$0x5] =	stream.indirect.gather [spmem:s1], $0x40, s0, s16, $0xb8;
	[tilespmem:$0x173A0] =	vst v63  }
0xb1: {  	_ =	swait.ge [sflag:s9], $0x2000  }
0xb2: {  	[sflag:s9] =	ssyncset.done $0x0  }
0xb3: {  	p1 =	sne.s32 s14, $0x5C000;
	s0 =	sadd.s32 $0xFFFFFF00, s15;
	[sflag:s9] =	ssyncadd.s32 $0xFFFFE000  }
0xb4: {  	[tilespmem:s29], [sflag:$0x6] =	stream.indirect.gather [spmem:s1], $0x40, s0, s16, $0xb8;
	[tilespmem:$0x173A0] =	vst v63  }
0xb5: {  	s14 =	sadd.s32 $0x4000, s14;
	s13 =	smov.u32 s15;
	_ =	swait.ge [sflag:s10], $0x2000  }
0xb6: {  	s17 =	simm.s32 $0x6400;
	s18 =	simm.s32 $0x8400;
	[sflag:s10] =	ssyncset.done $0x0  }
.Ltmp0:
0xb7: {  	s0 =	sadd.s32 $0xFFFFFF80, s15;
	[sflag:s10] =	ssyncadd.s32 $0xFFFFE000;
	(pc) =	sbr.rel @p1 .LBB2_2-.Ltmp0, $4  }
0xb8: {  	[tilespmem:s31], [sflag:$0x7] =	stream.indirect.gather [spmem:s1], $0x40, s0, s16, $0xb8;
	[tilespmem:$0x173A0] =	vst v63  }
0xb9: {  	s20 =	simm.s32 $0xA400;
	s22 =	simm.s32 $0xC400;
	_ =	swait.ge [sflag:s11], $0x2000  }
0xba: {  	s24 =	simm.s32 $0xE400;
	s26 =	simm.s32 $0x10400;
	[sflag:s11] =	ssyncset.done $0x0  }
0xbb: {  	s29 =	simm.s32 $0x12400;
	s15 =	sadd.s32 $0x400, s15;
	[sflag:s11] =	ssyncadd.s32 $0xFFFFE000  }
0xbc: {  	s0 =	simm.s32 $0x14400;
	s12 =	simm.s32 $0x1  }
0xbd: {  	[tilespmem:s0], [sflag:$0x8] =	stream.indirect.gather [spmem:s1], $0x40, s13, s16, $0xb8;
	[tilespmem:$0x173A0] =	vst v63  }
0xbe: {  	_ =	swait.ge [sflag:s12], $0x2000  }
0xbf: {  	[sflag:s12] =	ssyncset.done $0x0  }
0xc0: {  	s13 =	rddreg [dreg:$0xe];
	[sflag:s12] =	ssyncadd.s32 $0xFFFFE000  }
0xc1: {  	[hbm4b:s13+s19] =	stream.strided.scatter [tilespmem:s17], [sflag:$0x9], $0x2000, s16, s19, $0x38;
	[tilespmem:$0x173A0] =	vst v63  }
0xc2: {  	_ =	swait.ge [sflag:s21], $0x2000  }
0xc3: {  	[sflag:s21] =	ssyncset.done $0x0  }
0xc4: {  	s14 =	rddreg [dreg:$0xf];
	[sflag:s21] =	ssyncadd.s32 $0xFFFFE000  }
0xc5: {  	[hbm4b:s14+s19] =	stream.strided.scatter [tilespmem:s18], [sflag:$0xA], $0x2000, s16, s19, $0x38;
	[tilespmem:$0x173A0] =	vst v63  }
0xc6: {  	_ =	swait.ge [sflag:s23], $0x2000  }
0xc7: {  	[sflag:s23] =	ssyncset.done $0x0  }
0xc8: {  	s15 =	rddreg [dreg:$0x10];
	[sflag:s23] =	ssyncadd.s32 $0xFFFFE000  }
0xc9: {  	[hbm4b:s15+s19] =	stream.strided.scatter [tilespmem:s20], [sflag:$0xB], $0x2000, s16, s19, $0x38;
	[tilespmem:$0x173A0] =	vst v63  }
0xca: {  	_ =	swait.ge [sflag:s25], $0x2000  }
0xcb: {  	[sflag:s25] =	ssyncset.done $0x0  }
0xcc: {  	s17 =	rddreg [dreg:$0x11];
	[sflag:s25] =	ssyncadd.s32 $0xFFFFE000  }
0xcd: {  	[hbm4b:s17+s19] =	stream.strided.scatter [tilespmem:s22], [sflag:$0xC], $0x2000, s16, s19, $0x38;
	[tilespmem:$0x173A0] =	vst v63  }
0xce: {  	_ =	swait.ge [sflag:s28], $0x2000  }
0xcf: {  	[sflag:s28] =	ssyncset.done $0x0  }
0xd0: {  	s18 =	rddreg [dreg:$0x12];
	[sflag:s28] =	ssyncadd.s32 $0xFFFFE000  }
0xd1: {  	[hbm4b:s18+s19] =	stream.strided.scatter [tilespmem:s24], [sflag:$0xD], $0x2000, s16, s19, $0x38;
	[tilespmem:$0x173A0] =	vst v63  }
0xd2: {  	_ =	swait.ge [sflag:s30], $0x2000  }
0xd3: {  	[sflag:s30] =	ssyncset.done $0x0  }
0xd4: {  	s20 =	rddreg [dreg:$0x13];
	[sflag:s30] =	ssyncadd.s32 $0xFFFFE000  }
0xd5: {  	[hbm4b:s20+s19] =	stream.strided.scatter [tilespmem:s26], [sflag:$0xE], $0x2000, s16, s19, $0x38;
	[tilespmem:$0x173A0] =	vst v63  }
0xd6: {  	_ =	swait.ge [sflag:s2], $0x2000  }
0xd7: {  	[sflag:s2] =	ssyncset.done $0x0  }
0xd8: {  	s22 =	rddreg [dreg:$0x14];
	[sflag:s2] =	ssyncadd.s32 $0xFFFFE000  }
0xd9: {  	[hbm4b:s22+s19] =	stream.strided.scatter [tilespmem:s29], [sflag:$0xF], $0x2000, s16, s19, $0x38;
	[tilespmem:$0x173A0] =	vst v63  }
0xda: {  	_ =	swait.ge [sflag:s3], $0x2000  }
0xdb: {  	[sflag:s3] =	ssyncset.done $0x0  }
0xdc: {  	s24 =	rddreg [dreg:$0x15];
	[sflag:s3] =	ssyncadd.s32 $0xFFFFE000  }
0xdd: {  	[hbm4b:s24+s19] =	stream.strided.scatter [tilespmem:s0], [sflag:$0x10], $0x2000, s16, s19, $0x38;
	[tilespmem:$0x173A0] =	vst v63  }
0xde: {  	_ =	swait.ge [sflag:s4], $0x2000  }
0xdf: {  	[sflag:s4] =	ssyncset.done $0x0  }
0xe0: {  	[sflag:s4] =	ssyncadd.s32 $0xFFFFE000  }
0xe1: {  	_ =	swait.ge [sflag:s5], $0x2000  }
0xe2: {  	[sflag:s5] =	ssyncset.done $0x0  }
0xe3: {  	[sflag:s5] =	ssyncadd.s32 $0xFFFFE000  }
0xe4: {  	_ =	swait.ge [sflag:s6], $0x2000  }
0xe5: {  	[sflag:s6] =	ssyncset.done $0x0  }
0xe6: {  	[sflag:s6] =	ssyncadd.s32 $0xFFFFE000  }
0xe7: {  	_ =	swait.ge [sflag:s7], $0x2000  }
0xe8: {  	[sflag:s7] =	ssyncset.done $0x0  }
0xe9: {  	[sflag:s7] =	ssyncadd.s32 $0xFFFFE000  }
0xea: {  	_ =	swait.ge [sflag:s8], $0x2000  }
0xeb: {  	[sflag:s8] =	ssyncset.done $0x0  }
0xec: {  	[sflag:s8] =	ssyncadd.s32 $0xFFFFE000  }
0xed: {  	_ =	swait.ge [sflag:s9], $0x2000  }
0xee: {  	[sflag:s9] =	ssyncset.done $0x0  }
0xef: {  	[sflag:s9] =	ssyncadd.s32 $0xFFFFE000  }
0xf0: {  	_ =	swait.ge [sflag:s10], $0x2000  }
0xf1: {  	[sflag:s10] =	ssyncset.done $0x0  }
0xf2: {  	[sflag:s10] =	ssyncadd.s32 $0xFFFFE000  }
0xf3: {  	_ =	swait.ge [sflag:s11], $0x2000  }
0xf4: {  	s26 =	rddreg [dreg:$0x18]  }
0xf5: {  	s29 =	rddreg [dreg:$0x16];
	s0 =	sadd.s32 $0x1, s26  }
0xf6: {  	p1 =	sne.s32 s0, s29  }
.Ltmp1:
0xf7: {  	_ = 	snop;
	(pc) =	sbr.rel @p1 .LBB2_1-.Ltmp1, $3  }
0xf8: {  	_ =	sdelay $0x1  }
0xf9: {  	[sflag:s11] =	ssyncset.done $0x0  }
0xfa: {  	[sflag:s11] =	ssyncadd.s32 $0xFFFFE000  }
0xfb: {  	_ =	sfence.sel $0x180000  }
0xfc: {  	[bflag:$0x0] =	sbarrier.arrive $0xFFFF  }
0xfd: {  	_ =	strace $0x90000047  }
0xfe: {  	[bflag:$0x2] =	sbarrier.arrive $0xFFFF  }
0xff: {  	s0 =	rddreg [dreg:$0x3]  }
0x100: {  	s0 =	sadd.s32 @!p0 $0x100000, s0  }
0x101: {  	[sflag:s0] =	ssyncadd.tile.s32 @!p0 $0x1;
	_ =	shalt  }
.Lfunc_end2:
_tile_overlayer_lowered:
.L_overlay_start_2:
0x102: {  	(tag) =	ssettag $0x2  }
0x103: {  	s0 =	rddreg [dreg:$0x0];
	s2 =	stileid.u32  }
0x104: {  	s1 =	rddreg [dreg:$0x1];
	p0 =	sne.s32 s2, $0x0  }
0x105: {  	s3 =	rddreg [dreg:$0x2];
	[bflag:$0x3] =	sbarrier.arrive $0xFFFF;
	s2 =	simm.s32 @!p0 $0x1C11  }
0x106: {  	[timem:s3], [sflag:s2] =	dma.local @!p0 [hbm:s0], s1  }
0x107: {  	s0 =	simm.s32 @!p0 $0x11  }
0x108: {  	_ =	swait.ge @!p0 [sflag:s0], s1  }
0x109: {  	s1 =	ssub.s32 @!p0 $0x0, s1;
	[sflag:s0] =	ssyncset.done @!p0 $0x0  }
0x10a: {  	[sflag:s0] =	ssyncadd.s32 @!p0 s1  }
0x10b: {  	[bflag:$0x3] =	sbarrier.arrive $0xFFFF  }
0x10c: {  	_ =	shalt  }

// kernel: sparse-core-data-format-call.cloned.1.call-start
scs
called_computation_lowered:
.L_overlay_start_0:
0x0: {  	s2 =	sld [smem:$0x3FD9]  }
0x1: {  	s3 =	sld [smem:$0x3FFE];
	_ =	sdelay $0x1  }
0x2: {  	s1 =	srdreg.scid  }
0x3: {  	s0 =	sand.u32 $0x1, s1  }
0x4: {  	s18 =	sshll.u32 s0, $0xA;
	s2 =	sadd.s32 s3, s2  }
0x5: {  	s2 =	sadd.s32 s2, s18  }
0x6: {  	[smem:$0x3FC6] =	sst s2  }
0x7: {  	_ = 	snop  }
0x8: {  	s2 =	sld [smem:$0x3FD0];
	(tm) =	ssettm $0x1  }
0x9: {  	s19 =	sld [smem:$0x3FFB];
	_ =	sdelay $0x3  }
0xa: {  	_ =	strace s19  }
0xb: {  	s3 =	sld [smem:$0x3FFC];
	_ =	sdelay $0x3  }
0xc: {  	_ =	strace s3  }
0xd: {  	s3 =	sld [smem:$0x3FFD];
	_ =	sdelay $0x3  }
0xe: {  	_ =	strace s3  }
0xf: {  	_ =	strace $0x8FFFFFFF  }
0x10: {  	s20 =	sld [smem:$0x3FDB];
	_ =	sdelay $0x1  }
0x11: {  	s4 =	simm.s32 $_scs_section_size  }
0x12: {  	s5 =	simm.s32 $_size__tile_overlayer_lowered;
	s6 =	simm.s32 $_tile_overlayer_lowered  }
0x13: {  	s23 =	simm.s32 $0x1BFF;
	s22 =	sshll.u32 s6, $0x1;
	s3 =	sadd.s32 s4, s20  }
0x14: {  	s7 =	simm.s32 $0x0;
	s21 =	sshll.u32 s5, $0x1;
	s5 =	sadd.s32 s22, s3  }
0x15: {  	[timem:s7], [sflag:s23] =	dma.local [hbm:s5], s21  }
0x16: {  	_ =	swait.ge [sflag:s23], s21  }
0x17: {  	s4 =	ssub.s32 $0x0, s21;
	[sflag:s23] =	ssyncset.done $0x0  }
0x18: {  	[sflag:s23] =	ssyncadd.s32 s4;
	_ =	sdelay $0x1  }
0x19: {  	s24 =	simm.s32 $0x1B8B  }
0x1a: {  	_ =	swait.ge [sflag:s24], $0x1  }
0x1b: {  	[sflag:s24] =	ssyncset.done $0x0  }
0x1c: {  	s26 =	simm.s32 $0x1B8E;
	s25 =	sld [smem:$0x3FFE];
	[sflag:s24] =	ssyncadd.s32 $0xFFFFFFFF  }
0x1d: {  	s27 =	simm.s32 $execute0_lowered;
	[smem:$0x3FD2] =	sst s26  }
0x1e: {  	s5 =	sshll.u32 s27, $0x1;
	_ =	strace $0x80000049;
	[dreg:$0x1] =	wrdreg $0xFFFFFFFF  }
0x1f: {  	s28 =	simm.s32 $_size_execute0_lowered;
	s3 =	sadd.s32 s3, s5;
	[dreg:$0x0] =	wrdreg $0x0  }
0x20: {  	s5 =	sshll.u32 s28, $0x1;
	[dreg:$0x2] =	wrdreg s3  }
0x21: {  	[dreg:$0x3] =	wrdreg s5  }
0x22: {  	[dreg:$0x4] =	wrdreg $0xC0  }
0x23: {  	_ =	task [dreg:s7], $0x5FFFF  }
0x24: {  	[dreg:$0x1] =	wrdreg $0xFFFFFFFF  }
0x25: {  	[dreg:$0x0] =	wrdreg $0x60  }
0x26: {  	[dreg:$0x2] =	wrdreg s25  }
0x27: {  	[dreg:$0x3] =	wrdreg s2  }
0x28: {  	[dreg:$0x4] =	wrdreg $0x9  }
0x29: {  	_ =	task.clear_ibuf [dreg:s7], $0x5FFFF;
	_ =	strace $0x90000049  }
0x2a: {  	s29 =	simm.s32 $0x9;
	_ =	strace $0x8000004B  }
0x2b: {  	_ =	swait.ge [sflag:s29], $0x1  }
0x2c: {  	[sflag:s29] =	ssyncadd.s32 $0xFFFFFFFF  }
0x2d: {  	_ =	strace $0x9000004B  }
0x2e: {  	_ =	sfence  }
0x2f: {  	s30 =	sld [smem:$0x0];
	_ =	sdelay $0x2  }
0x30: {  	s31 =	sshll.u32 s1, $0xD;
	s1 =	sshrl.u32 s1, $0x2  }
0x31: {  	s3 =	sand.u32 $0x4000, s31;
	s1 =	sadd.s32 s1, s30  }
0x32: {  	s0 =	sor.u32 s3, s0;
	s1 =	sshll.u32 s1, $0x11  }
0x33: {  	s0 =	sor.u32 s1, s0  }
0x34: {  	s0 =	sadd.s32 $0x8F2B, s0  }
0x35: {  	[sflag:s0] =	ssyncadd.remote.s32 $0x1  }
0x36: {  	_ =	sfence.sel $0xFFFF  }
0x37: {  	[dreg:$0x0] =	wrdreg $0xFFFFFFFF;
	(pc) =	sbr.abs _section_cstart, $3  }
0x38: {  	[dreg:$0x1] =	wrdreg $0xFFFFFFFF  }
0x39: {  	_ =	task.clear_ibuf [dreg:s7], $0x2FFFF;
	_ =	strace $0x9FFFFFFF  }
0x3a: {  	(tm) =	ssettm $0x7FFFFFFF  }
0x3b: {  	_ =	shalt  }
tec
execute0_lowered:
.L_overlay_start_1:
0x0: {  	(tag) =	ssettag $0x1  }
0x1: {  	s0 =	srdreg.scid  }
0x2: {  	s1 =	sshll.u32 s0, $0x4  }
0x3: {  	s0 =	stileid.u32;
	s1 =	sand.u32 $0x10, s1  }
0x4: {  	s1 =	sor.u32 s0, s1  }
0x5: {  	s6 =	rddreg [dreg:$0x0];
	s4 =	simm.s32 $0x1;
	s2 =	sshll.u32 s1, $0x7  }
0x6: {  	s7 =	simm.s32 $0x2;
	s12 =	simm.s32 $0x0;
	s1 =	ssub.s32 $0x1000, s2  }
0x7: {  	s8 =	simm.s32 $0x8000;
	s13 =	simm.s32 $0x0;
	s3 =	sand.u32 $0xF80, s1  }
0x8: {  	s9 =	simm.s32 $0x0;
	s5 =	sshrl.u32 s1, $0xC;
	p0 =	sne.s32 s3, $0x0  }
.Ltmp0:
0x9: {  	s1 =	rddreg [dreg:$0x2];
	s4 =	simm.s32 @!p0 $0x0;
	(pc) =	sbr.rel .LBB1_1-.Ltmp0, $4  }
0xa: {  	s11 =	simm.s32 $0x0;
	s3 =	rddreg [dreg:$0x1];
	s5 =	sadd.s32 s4, s5  }
0xb: {  	_ =	strace $0x8000004A;
	s4 =	simm.s32 $0x1;
	s5 =	smul.u32 $0xC8, s5  }
0xc: {  	s6 =	sadd.s32 $0x2800, s6;
	s10 =	smov.u32 s2;
	[sflag:s4] =	ssyncpa.u1 $0x0  }
0xd: {  	p0 =	por $0x0, $0x0;
	[sflag:s7] =	ssyncpa.u1 $0x0;
	s7 =	sor.u32 $0x1, s5  }
.LBB1_4:
0xe: {  	s16 =	sshll.u32 s13, $0x3;
	s17 =	sand.u32 $0x78, s13  }
0xf: {  	s30 =	sand.u32 $0x7E00, s13;
	s12 =	sshll.u32 s12, $0xF;
	s16 =	sand.u32 $0xC00, s16  }
0x10: {  	[tilespmem:s15+$0x810 ss:$0x81] =	vst.msk $0xffff, v2;
	s31 =	sand.u32 $0x7, s13;
	s16 =	sor.u32 s17, s16;
	s17 =	sadd.s32 s3, s30  }
0x11: {  	[tilespmem:s15+$0x1020 ss:$0x81] =	vst.msk $0xffff, v0;
	s13 =	sshll.u32 s31, $0x12;
	s12 =	sadd.s32 s12, s17;
	s16 =	sshrl.u32 s16, $0x3  }
0x12: {  	[tilespmem:s15+$0x0 ss:$0x81] =	vst.msk $0xffff, v1;
	s13 =	sor.u32 $0x400, s13;
	s12 =	sadd.s32 s16, s12  }
0x13: {  	[hbm4b:s12+s13] =	stream.strided.scatter [tilespmem:s14], [sflag:$0x2], $0x2000, s8, s13, $0x20;
	[tilespmem:$0x8080] =	vst v63  }
.LBB1_5:
0x14: {  	s14 =	sadd.s32 $0x1, s9  }
0x15: {  	s12 =	sadd.s32 $0x1000, s10;
	s16 =	smov.u32 s10;
	p2 =	sgt.s32 s14, $0xC7  }
0x16: {  	s16 =	smov.u32 @p2 s12  }
0x17: {  	s14 =	simm.s32 @p2 $0x0;
	p2 =	sgt.s32 s16, $0xFFF  }
0x18: {  	s16 =	smov.u32 @p2 s2;
	p2 =	sne.s32 s11, s7  }
.Ltmp1:
0x19: {  	p1 =	slt.u32 s11, $0x2;
	(pc) =	sbr.rel @!p2 .LBB1_6-.Ltmp1, $4  }
0x1a: {  	s15 =	simm.s32 @!p1 $0x2  }
0x1b: {  	s13 =	smov.u32 s10;
	p0 =	por !p0, !p0;
	_ =	swait.ge @!p1 [sflag:s15], $0x2000  }
0x1c: {  	s12 =	smov.u32 s9;
	[sflag:s15] =	ssyncset.done @!p1 $0x0;
	s9 =	smov.u32 s14  }
0x1d: {  	s11 =	sadd.s32 $0x1, s11;
	[sflag:s15] =	ssyncadd.s32 @!p1 $0xFFFFE000;
	s10 =	smov.u32 s16  }
.LBB1_1:
0x1e: {  	p1 =	sge.u32 s11, s5  }
0x1f: {  	s14 =	sand.u32 @!p1 $0x1FFFFFF, s9  }
0x20: {  	s15 =	smulhi.u32 @!p1 $0x147AE15, s14;
	_ =	sdelay $0x1  }
0x21: {  	s15 =	smul.u32 @!p1 $0xC8, s15  }
0x22: {  	s16 =	sxor.u32 @!p1 $0xFFFFFFFF, s11;
	s17 =	smul.u32 @!p1 $0xC80, s10  }
0x23: {  	s31 =	sadd.s32 $0xFFFFFFFF, s11;
	s16 =	sshll.u32 @!p1 s16, $0xD;
	s14 =	ssub.s32 @!p1 s14, s15  }
0x24: {  	s15 =	sand.u32 @!p1 $0x2000, s16;
	s16 =	sadd.s32 @!p1 s6, s17;
	s14 =	sshll.u32 @!p1 s14, $0x4  }
0x25: {  	s17 =	simm.s32 @!p1 $0x6400;
	s14 =	sadd.s32 @!p1 s14, s16;
	s16 =	simm.s32 @!p1 $0x40  }
0x26: {  	[tilespmem:s15], [sflag:$0x1] =	stream.strided.gather @!p1 [hbm4b:s14+s16], $0x2000, s17, s16, $0x38;
	[tilespmem:$0x8080] =	vst v63  }
0x27: {  	p1 =	sge.u32 s31, s5  }
.Ltmp2:
0x28: {  	_ = 	snop;
	(pc) =	sbr.rel @p1 .LBB1_5-.Ltmp2, $1  }
0x29: {  	_ =	sdelay $0x3  }
0x2a: {  	s14 =	simm.s32 $0x1  }
0x2b: {  	_ =	swait.ge [sflag:s4], $0x2000;
	s14 =	simm.s32 @!p0 $0x0  }
0x2c: {  	[sflag:s4] =	ssyncset.done $0x0;
	s15 =	sshll.u32 s14, $0xD  }
0x2d: {  	[sflag:s4] =	ssyncadd.s32 $0xFFFFE000;
	s18 =	sor.u32 $0x20, s15  }
0x2e: {  	s14 =	smul.u32 $0x8100, s14;
	v3 =	vld [tilespmem:s18+$0x10]  }
0x2f: {  	s30 =	sand.u32 $0x1, s11;
	v2 =	vld [tilespmem:s18+$0xFFFFFFF0]  }
0x30: {  	s15 =	smul.u32 $0x8100, s30;
	s14 =	sshrl.u32 s14, $0x2;
	v0 =	vld [tilespmem:s18+$0x0]  }
0x31: {  	v1 =	vld [tilespmem:s18+$0xFFFFFFE0];
	s16 =	sor.u32 $0x4000, s14  }
0x32: {  	s31 =	sshrl.u32 s15, $0x2;
	s15 =	sadd.s32 $0x0, s16  }
0x33: {  	s17 =	simm.s32 $0x4;
	s18 =	sadd.s32 $0x40, s18;
	s14 =	sor.u32 $0x4000, s31;
	[tilespmem:s15+$0x1830 ss:$0x81] =	vst.msk $0xffff, v3  }
.LBB1_3:
0x34: {  	v3 =	vld [tilespmem:s18+$0x10];
	p1 =	sne.s32 s17, $0x1FC;
	[tilespmem:s15+$0x810 ss:$0x81] =	vst.msk $0xffff, v2;
	s19 =	smov.u32 s17;
	s17 =	sadd.s32 $0x4, s17  }
.Ltmp3:
0x35: {  	v2 =	vld [tilespmem:s18+$0xFFFFFFF0];
	[tilespmem:s15+$0x1020 ss:$0x81] =	vst.msk $0xffff, v0;
	(pc) =	sbr.rel @p1 .LBB1_3-.Ltmp3, $4  }
0x36: {  	v0 =	vld [tilespmem:s18+$0x0];
	[tilespmem:s15+$0x0 ss:$0x81] =	vst.msk $0xffff, v1  }
0x37: {  	s15 =	sshra.s32 s19, $0x2;
	v1 =	vld [tilespmem:s18+$0xFFFFFFE0]  }
0x38: {  	s15 =	sadd.s32 s15, s16  }
0x39: {  	s18 =	sadd.s32 $0x40, s18;
	[tilespmem:s15+$0x1830 ss:$0x81] =	vst.msk $0xffff, v3  }
.Ltmp4:
0x3a: {  	_ = 	snop;
	(pc) =	sbr.rel .LBB1_4-.Ltmp4, $1  }
0x3b: {  	_ =	sdelay $0x3  }
.LBB1_6:
0x3c: {  	_ =	sfence.sel $0x180000  }
0x3d: {  	s2 =	simm.s32 $0x1;
	[bflag:$0x0] =	sbarrier.arrive $0xFFFF  }
0x3e: {  	s31 =	simm.s32 $0x2;
	[sflag:s2] =	ssyncpa.u1 $0x1  }
0x3f: {  	[sflag:s31] =	ssyncpa.u1 $0x1  }
0x40: {  	p0 =	sne.s32 s0, $0x0;
	_ =	strace $0x9000004A  }
0x41: {  	s0 =	sadd.s32 @!p0 $0x100000, s1;
	[bflag:$0x2] =	sbarrier.arrive $0xFFFF  }
0x42: {  	[sflag:s0] =	ssyncadd.tile.s32 @!p0 $0x1;
	_ =	shalt  }
.Lfunc_end1:
_tile_overlayer_lowered:
.L_overlay_start_2:
0x43: {  	(tag) =	ssettag $0x2  }
0x44: {  	s0 =	rddreg [dreg:$0x0];
	s2 =	stileid.u32  }
0x45: {  	s1 =	rddreg [dreg:$0x1];
	p0 =	sne.s32 s2, $0x0  }
0x46: {  	s3 =	rddreg [dreg:$0x2];
	[bflag:$0x3] =	sbarrier.arrive $0xFFFF;
	s2 =	simm.s32 @!p0 $0x1C01  }
0x47: {  	[timem:s3], [sflag:s2] =	dma.local @!p0 [hbm:s0], s1  }
0x48: {  	s0 =	simm.s32 @!p0 $0x1  }
0x49: {  	_ =	swait.ge @!p0 [sflag:s0], s1  }
0x4a: {  	s1 =	ssub.s32 @!p0 $0x0, s1;
	[sflag:s0] =	ssyncset.done @!p0 $0x0  }
0x4b: {  	[sflag:s0] =	ssyncadd.s32 @!p0 s1  }
0x4c: {  	[bflag:$0x3] =	sbarrier.arrive $0xFFFF  }
0x4d: {  	_ =	shalt  }

</sc_bundles>
